<compile_context>
chip_gen: v7x
topology: tpu7x:2x2x1
jax: 0.10.2.dev20260603
libtpu: 0.0.44.dev20260713+nightly
codegen_flags: <defaults>
</compile_context>

<pallas_src>
import functools

import jax
import jax.numpy as jnp
from jax import lax
from jax.experimental import pallas as pl
from jax.experimental.pallas import tpu as pltpu
from jax.experimental.pallas import tpu_sc as plsc

_NUM_CODEBOOKS = 8
_VOCAB = 1024
_D_IN = 64
_D_OUT = 64
_B, _T = 16, 2048
_N = _B * _T * _NUM_CODEBOOKS
_LANES = 128
_TT = _T // _LANES
_ROWS = _N // _LANES
_RING = 4


def _tc_prep_body(tokens_ref, table_ref, w_ref, b_ref, idx_ref, p_ref):
    x = tokens_ref[...]
    offs = lax.broadcasted_iota(jnp.int32, (_B, _NUM_CODEBOOKS, _TT, _LANES), 1) * _VOCAB
    idx_ref[...] = x.reshape(_B, _NUM_CODEBOOKS, _TT, _LANES) + offs
    p_ref[...] = jnp.dot(table_ref[...], w_ref[...],
                         preferred_element_type=jnp.float32) + b_ref[...]


def _tc_prep(in_tokens, emb_table, W, b2d):
    return pl.pallas_call(
        _tc_prep_body,
        out_shape=[
            jax.ShapeDtypeStruct((_B, _NUM_CODEBOOKS, _TT, _LANES), jnp.int32),
            jax.ShapeDtypeStruct((_NUM_CODEBOOKS * _VOCAB, _D_OUT), jnp.float32),
        ],
    )(in_tokens, emb_table, W, b2d)


def _make_sc_gather(nw, chunks_per_w, num_cores):
    mesh = plsc.VectorSubcoreMesh(core_axis_name="c", subcore_axis_name="s")

    @functools.partial(
        pl.kernel,
        mesh=mesh,
        compiler_params=pltpu.CompilerParams(use_tc_tiling_on_sc=False),
        out_type=jax.ShapeDtypeStruct((_N, 2 * _D_OUT), jnp.float32),
        scratch_types=[
            pltpu.VMEM((chunks_per_w, _LANES), jnp.int32),
            pltpu.VMEM((_RING, _LANES, _D_OUT), jnp.float32),
            pltpu.SemaphoreType.DMA,
            pltpu.SemaphoreType.DMA,
        ],
    )
    def sc_gather(p_hbm, idx_hbm, out_hbm, idx_v, bufs, gsem, wsem):
        wid = lax.axis_index("s") * num_cores + lax.axis_index("c")
        base = wid * (chunks_per_w * _LANES)
        pltpu.sync_copy(idx_hbm.at[wid], idx_v)

        for q in range(_RING):
            pltpu.async_copy(p_hbm.at[idx_v.at[q]], bufs.at[q], gsem)

        n_groups = chunks_per_w // _RING

        def body(j, _):
            c0 = _RING * j
            for q in range(_RING):
                pltpu.make_async_copy(
                    p_hbm.at[idx_v.at[c0 + q]], bufs.at[q], gsem).wait()
                pltpu.async_copy(
                    bufs.at[q],
                    out_hbm.at[pl.ds(base + (c0 + q) * _LANES, _LANES),
                               pl.ds(0, _D_OUT)],
                    wsem)

            @pl.when(j < n_groups - 1)
            def _():
                for q in range(_RING):
                    pltpu.make_async_copy(
                        bufs.at[q],
                        out_hbm.at[pl.ds(base + (c0 + q) * _LANES, _LANES),
                                   pl.ds(0, _D_OUT)],
                        wsem).wait()
                    pltpu.async_copy(
                        p_hbm.at[idx_v.at[c0 + _RING + q]], bufs.at[q], gsem)
            return 0

        lax.fori_loop(0, n_groups, body, 0)

        last = chunks_per_w - _RING
        for q in range(_RING):
            pltpu.make_async_copy(
                bufs.at[q],
                out_hbm.at[pl.ds(base + (last + q) * _LANES, _LANES),
                           pl.ds(0, _D_OUT)],
                wsem).wait()

    return sc_gather


def _transpose_body(a_ref, x_ref):
    xt = jnp.transpose(a_ref[...])
    x_ref[0, 0] = xt[:_D_OUT]


def _transpose_finisher(a2d):
    return pl.pallas_call(
        _transpose_body,
        grid=(_B, _NUM_CODEBOOKS),
        in_specs=[pl.BlockSpec((_T, 2 * _D_OUT),
                               lambda i, j: (i * _NUM_CODEBOOKS + j, 0))],
        out_specs=pl.BlockSpec((1, 1, _D_OUT, _T),
                               lambda i, j: (i, j, 0, 0)),
        out_shape=jax.ShapeDtypeStruct((_B, _NUM_CODEBOOKS, _D_OUT, _T),
                                       jnp.float32),
    )(a2d)


def kernel(in_tokens, emb_table, W, b):
    info = plsc.get_sparse_core_info()
    nw = info.num_cores * info.num_subcores
    chunks_per_w = _ROWS // nw
    tokens_t = jnp.transpose(in_tokens, (0, 2, 1))
    idx4, proj = _tc_prep(tokens_t, emb_table, W, b.reshape(1, _D_OUT))
    idx3d = idx4.reshape(nw, chunks_per_w, _LANES)
    sc_gather = _make_sc_gather(nw, chunks_per_w, info.num_cores)
    a2d = sc_gather(proj, idx3d)
    x = _transpose_finisher(a2d)
    return jnp.transpose(x, (0, 3, 1, 2))

# --- scband reference (transcript-rebuilt; emitter-appended) ---
"""Pipeline reference for scband-discrete-codebook-embedding-layer-26731876451157 (READ-ONLY COPY).

The authoritative reference and input builder live on the scoring server;
editing this copy changes nothing except your own understanding.
"""

import jax, jax.numpy as jnp
import numpy as np

NUM_CODEBOOKS = 8
VOCAB_SIZE = 1024
SSL_EMB_DIM = 64
EMB_DIM = 64
B, T = 16, 2048


def setup_inputs(seed: int = 0) -> dict:
    key = jax.random.key(seed)
    k1, k2, k3 = jax.random.split(key, 3)
    in_tokens = jax.random.randint(k1, (B, T, NUM_CODEBOOKS), 0, VOCAB_SIZE, dtype=jnp.int32)
    # Embedding table: num_codebooks * vocab_size rows (concatenated per-codebook
    # kmeans cluster centers in the original; random stand-in here).
    emb_table = jax.random.normal(k2, (NUM_CODEBOOKS * VOCAB_SIZE, SSL_EMB_DIM), dtype=jnp.float32) * 0.02
    # emb_dense: Linear(ssl_emb_dim -> emb_dim)
    W = jax.random.normal(k3, (SSL_EMB_DIM, EMB_DIM), dtype=jnp.float32) * (1.0 / np.sqrt(SSL_EMB_DIM))
    b = jnp.zeros((EMB_DIM,), dtype=jnp.float32)
    return {"in_tokens": in_tokens, "emb_table": emb_table, "W": W, "b": b}


def reference(in_tokens, emb_table, W, b):
    # offset each codebook's tokens into its slice of the flat table
    offsets = jnp.arange(0, NUM_CODEBOOKS * VOCAB_SIZE, VOCAB_SIZE, dtype=in_tokens.dtype)  # [num_codebooks]
    shifted = in_tokens + offsets  # [B, T, C]
    in_embs = jnp.take(emb_table, shifted, axis=0)  # [B, T, C, ssl_emb_dim]
    out = jnp.einsum('btcd,de->btce', in_embs, W) + b  # Linear(ssl_emb_dim -> emb_dim)
    return out

if __name__ == "__main__":
    import jax
    _d = setup_inputs()
    print(jax.jit(kernel)(*tuple(_d.values())))

</pallas_src>

<mosaic_0001>
#map = affine_map<(d0, d1) -> (0, 0)>
#map1 = affine_map<(d0, d1) -> (0, 0, 0)>
module attributes {stable_mosaic.version = 14 : i64} {
  func.func @sc_gather(%arg0: i32, %arg1: i32, %arg2: memref<8192x64xf32, #tpu.memory_space<hbm>>, %arg3: memref<32x64x128xi32, #tpu.memory_space<hbm>>, %arg4: memref<262144x128xf32, #tpu.memory_space<hbm>>, %arg5: memref<64x128xi32, #tpu.memory_space<vmem>>, %arg6: memref<4x128x64xf32, #tpu.memory_space<vmem>>, %arg7: memref<!tpu.dma_semaphore, #tpu.memory_space<semaphore_mem>>, %arg8: memref<!tpu.dma_semaphore, #tpu.memory_space<semaphore_mem>>) attributes {dimension_semantics = [#tpu.dimension_semantics<core_parallel>, #tpu.dimension_semantics<subcore_parallel>], iteration_bounds = array<i64: 2, 16>, scalar_prefetch = 0 : i64, scratch_operands = 4 : i64, tpu.core_type = #tpu.core_type<sc_vector_subcore>, window_params = [{transform_indices = #map}, {transform_indices = #map1}, {transform_indices = #map}]} {
    %mul3A = arith.constant 2 : i32
    %mul3A_0 = arith.muli %arg1, %mul3A : i32
    %add3A = arith.addi %mul3A_0, %arg0 : i32
    %mul3A_1 = arith.constant 8192 : i32
    %mul3A_2 = arith.muli %add3A, %mul3A_1 : i32
    "tpu.region"() ({
      %run_scoped3A = tpu.sem_alloc : memref<!tpu.dma_semaphore, #tpu.memory_space<semaphore_mem>>
      %dma_start3A_115 = arith.constant 0 : i32
      %dma_start3A_116 = arith.constant 0 : i32
      %dma_start3A_117 = tpu.memref_slice %arg3[%add3A, %dma_start3A_115, %dma_start3A_116] : memref<32x64x128xi32, #tpu.memory_space<hbm>> -> memref<1x64x128xi32, #tpu.memory_space<hbm>>
      %dma_start3A_118 = tpu.memref_squeeze %dma_start3A_117 : memref<1x64x128xi32, #tpu.memory_space<hbm>> -> memref<64x128xi32, #tpu.memory_space<hbm>>
      %dma_start3A_119 = arith.constant 0 : i32
      %dma_start3A_120 = arith.constant 0 : i32
      %dma_start3A_121 = tpu.memref_slice %arg3[%add3A, %dma_start3A_119, %dma_start3A_120] : memref<32x64x128xi32, #tpu.memory_space<hbm>> -> memref<1x64x128xi32, #tpu.memory_space<hbm>>
      %dma_start3A_122 = tpu.memref_squeeze %dma_start3A_121 : memref<1x64x128xi32, #tpu.memory_space<hbm>> -> memref<64x128xi32, #tpu.memory_space<hbm>>
      tpu.enqueue_dma source(%dma_start3A_122 : memref<64x128xi32, #tpu.memory_space<hbm>>) target(%arg5 : memref<64x128xi32, #tpu.memory_space<vmem>>) target_semaphore(%run_scoped3A : memref<!tpu.dma_semaphore, #tpu.memory_space<semaphore_mem>>)
      %dma_wait3A_123 = arith.constant 0 : i32
      %dma_wait3A_124 = arith.constant 0 : i32
      %dma_wait3A_125 = tpu.memref_slice %arg3[%add3A, %dma_wait3A_123, %dma_wait3A_124] : memref<32x64x128xi32, #tpu.memory_space<hbm>> -> memref<1x64x128xi32, #tpu.memory_space<hbm>>
      %dma_wait3A_126 = tpu.memref_squeeze %dma_wait3A_125 : memref<1x64x128xi32, #tpu.memory_space<hbm>> -> memref<64x128xi32, #tpu.memory_space<hbm>>
      %dma_wait3A_127 = arith.constant 0 : i32
      %dma_wait3A_128 = arith.constant 0 : i32
      %dma_wait3A_129 = tpu.memref_slice %arg3[%add3A, %dma_wait3A_127, %dma_wait3A_128] : memref<32x64x128xi32, #tpu.memory_space<hbm>> -> memref<1x64x128xi32, #tpu.memory_space<hbm>>
      %dma_wait3A_130 = tpu.memref_squeeze %dma_wait3A_129 : memref<1x64x128xi32, #tpu.memory_space<hbm>> -> memref<64x128xi32, #tpu.memory_space<hbm>>
      tpu.wait_dma2 semaphore(%run_scoped3A : memref<!tpu.dma_semaphore, #tpu.memory_space<semaphore_mem>>) src(%dma_wait3A_130 : memref<64x128xi32, #tpu.memory_space<hbm>>) dst(%arg5 : memref<64x128xi32, #tpu.memory_space<vmem>>)
      tpu.yield
    }) : () -> ()
    %dma_start3A = arith.constant 0 : i32
    %dma_start3A_3 = arith.constant 0 : i32
    %dma_start3A_4 = arith.constant 0 : i32
    %dma_start3A_5 = arith.constant 0 : i32
    %dma_start3A_6 = tpu.memref_slice %arg6[%dma_start3A_3, %dma_start3A_4, %dma_start3A_5] : memref<4x128x64xf32, #tpu.memory_space<vmem>> -> memref<1x128x64xf32, #tpu.memory_space<vmem>>
    %dma_start3A_7 = tpu.memref_squeeze %dma_start3A_6 : memref<1x128x64xf32, #tpu.memory_space<vmem>> -> memref<128x64xf32, #tpu.memory_space<vmem>>
    %dma_start3A_8 = arith.constant 0 : i32
    %dma_start3A_9 = tpu.memref_slice %arg5[%dma_start3A, %dma_start3A_8] : memref<64x128xi32, #tpu.memory_space<vmem>> -> memref<1x128xi32, #tpu.memory_space<vmem>>
    %dma_start3A_10 = tpu.memref_squeeze %dma_start3A_9 : memref<1x128xi32, #tpu.memory_space<vmem>> -> memref<128xi32, #tpu.memory_space<vmem>>
    %dma_start3A_11 = arith.constant 0 : i32
    %dma_start3A_12 = arith.constant 0 : i32
    %dma_start3A_13 = tpu.memref_slice %arg2[%dma_start3A_11, %dma_start3A_12] : memref<8192x64xf32, #tpu.memory_space<hbm>> -> memref<8192x64xf32, #tpu.memory_space<hbm>>
    tpu.enqueue_indirect_dma source(%dma_start3A_13 : memref<8192x64xf32, #tpu.memory_space<hbm>>) target(%dma_start3A_7 : memref<128x64xf32, #tpu.memory_space<vmem>>) offsets(%dma_start3A_10 : memref<128xi32, #tpu.memory_space<vmem>>) semaphore(%arg7 : memref<!tpu.dma_semaphore, #tpu.memory_space<semaphore_mem>>)
    %dma_start3A_14 = arith.constant 1 : i32
    %dma_start3A_15 = arith.constant 1 : i32
    %dma_start3A_16 = arith.constant 0 : i32
    %dma_start3A_17 = arith.constant 0 : i32
    %dma_start3A_18 = tpu.memref_slice %arg6[%dma_start3A_15, %dma_start3A_16, %dma_start3A_17] : memref<4x128x64xf32, #tpu.memory_space<vmem>> -> memref<1x128x64xf32, #tpu.memory_space<vmem>>
    %dma_start3A_19 = tpu.memref_squeeze %dma_start3A_18 : memref<1x128x64xf32, #tpu.memory_space<vmem>> -> memref<128x64xf32, #tpu.memory_space<vmem>>
    %dma_start3A_20 = arith.constant 0 : i32
    %dma_start3A_21 = tpu.memref_slice %arg5[%dma_start3A_14, %dma_start3A_20] : memref<64x128xi32, #tpu.memory_space<vmem>> -> memref<1x128xi32, #tpu.memory_space<vmem>>
    %dma_start3A_22 = tpu.memref_squeeze %dma_start3A_21 : memref<1x128xi32, #tpu.memory_space<vmem>> -> memref<128xi32, #tpu.memory_space<vmem>>
    %dma_start3A_23 = arith.constant 0 : i32
    %dma_start3A_24 = arith.constant 0 : i32
    %dma_start3A_25 = tpu.memref_slice %arg2[%dma_start3A_23, %dma_start3A_24] : memref<8192x64xf32, #tpu.memory_space<hbm>> -> memref<8192x64xf32, #tpu.memory_space<hbm>>
    tpu.enqueue_indirect_dma source(%dma_start3A_25 : memref<8192x64xf32, #tpu.memory_space<hbm>>) target(%dma_start3A_19 : memref<128x64xf32, #tpu.memory_space<vmem>>) offsets(%dma_start3A_22 : memref<128xi32, #tpu.memory_space<vmem>>) semaphore(%arg7 : memref<!tpu.dma_semaphore, #tpu.memory_space<semaphore_mem>>)
    %dma_start3A_26 = arith.constant 2 : i32
    %dma_start3A_27 = arith.constant 2 : i32
    %dma_start3A_28 = arith.constant 0 : i32
    %dma_start3A_29 = arith.constant 0 : i32
    %dma_start3A_30 = tpu.memref_slice %arg6[%dma_start3A_27, %dma_start3A_28, %dma_start3A_29] : memref<4x128x64xf32, #tpu.memory_space<vmem>> -> memref<1x128x64xf32, #tpu.memory_space<vmem>>
    %dma_start3A_31 = tpu.memref_squeeze %dma_start3A_30 : memref<1x128x64xf32, #tpu.memory_space<vmem>> -> memref<128x64xf32, #tpu.memory_space<vmem>>
    %dma_start3A_32 = arith.constant 0 : i32
    %dma_start3A_33 = tpu.memref_slice %arg5[%dma_start3A_26, %dma_start3A_32] : memref<64x128xi32, #tpu.memory_space<vmem>> -> memref<1x128xi32, #tpu.memory_space<vmem>>
    %dma_start3A_34 = tpu.memref_squeeze %dma_start3A_33 : memref<1x128xi32, #tpu.memory_space<vmem>> -> memref<128xi32, #tpu.memory_space<vmem>>
    %dma_start3A_35 = arith.constant 0 : i32
    %dma_start3A_36 = arith.constant 0 : i32
    %dma_start3A_37 = tpu.memref_slice %arg2[%dma_start3A_35, %dma_start3A_36] : memref<8192x64xf32, #tpu.memory_space<hbm>> -> memref<8192x64xf32, #tpu.memory_space<hbm>>
    tpu.enqueue_indirect_dma source(%dma_start3A_37 : memref<8192x64xf32, #tpu.memory_space<hbm>>) target(%dma_start3A_31 : memref<128x64xf32, #tpu.memory_space<vmem>>) offsets(%dma_start3A_34 : memref<128xi32, #tpu.memory_space<vmem>>) semaphore(%arg7 : memref<!tpu.dma_semaphore, #tpu.memory_space<semaphore_mem>>)
    %dma_start3A_38 = arith.constant 3 : i32
    %dma_start3A_39 = arith.constant 3 : i32
    %dma_start3A_40 = arith.constant 0 : i32
    %dma_start3A_41 = arith.constant 0 : i32
    %dma_start3A_42 = tpu.memref_slice %arg6[%dma_start3A_39, %dma_start3A_40, %dma_start3A_41] : memref<4x128x64xf32, #tpu.memory_space<vmem>> -> memref<1x128x64xf32, #tpu.memory_space<vmem>>
    %dma_start3A_43 = tpu.memref_squeeze %dma_start3A_42 : memref<1x128x64xf32, #tpu.memory_space<vmem>> -> memref<128x64xf32, #tpu.memory_space<vmem>>
    %dma_start3A_44 = arith.constant 0 : i32
    %dma_start3A_45 = tpu.memref_slice %arg5[%dma_start3A_38, %dma_start3A_44] : memref<64x128xi32, #tpu.memory_space<vmem>> -> memref<1x128xi32, #tpu.memory_space<vmem>>
    %dma_start3A_46 = tpu.memref_squeeze %dma_start3A_45 : memref<1x128xi32, #tpu.memory_space<vmem>> -> memref<128xi32, #tpu.memory_space<vmem>>
    %dma_start3A_47 = arith.constant 0 : i32
    %dma_start3A_48 = arith.constant 0 : i32
    %dma_start3A_49 = tpu.memref_slice %arg2[%dma_start3A_47, %dma_start3A_48] : memref<8192x64xf32, #tpu.memory_space<hbm>> -> memref<8192x64xf32, #tpu.memory_space<hbm>>
    tpu.enqueue_indirect_dma source(%dma_start3A_49 : memref<8192x64xf32, #tpu.memory_space<hbm>>) target(%dma_start3A_43 : memref<128x64xf32, #tpu.memory_space<vmem>>) offsets(%dma_start3A_46 : memref<128xi32, #tpu.memory_space<vmem>>) semaphore(%arg7 : memref<!tpu.dma_semaphore, #tpu.memory_space<semaphore_mem>>)
    %scan3A = arith.constant 0 : i32
    %scan3A_50 = arith.constant 0 : i32
    %scan3A_51 = arith.constant 16 : i32
    %scan3A_52 = arith.addi %scan3A_50, %scan3A_51 : i32
    %scan3A_53 = arith.constant 1 : i32
    %scan3A_54 = scf.for %scan3A_115 = %scan3A_50 to %scan3A_52 step %scan3A_53 iter_args(%scan3A_116 = %scan3A) -> (i32)  : i32 {
      %mul3A_117 = arith.constant 4 : i32
      %mul3A_118 = arith.muli %mul3A_117, %scan3A_115 : i32
      %add3A_119 = arith.constant 0 : i32
      %add3A_120 = arith.addi %mul3A_118, %add3A_119 : i32
      %dma_wait3A_121 = arith.constant 0 : i32
      %dma_wait3A_122 = arith.constant 0 : i32
      %dma_wait3A_123 = arith.constant 0 : i32
      %dma_wait3A_124 = tpu.memref_slice %arg6[%dma_wait3A_121, %dma_wait3A_122, %dma_wait3A_123] : memref<4x128x64xf32, #tpu.memory_space<vmem>> -> memref<1x128x64xf32, #tpu.memory_space<vmem>>
      %dma_wait3A_125 = tpu.memref_squeeze %dma_wait3A_124 : memref<1x128x64xf32, #tpu.memory_space<vmem>> -> memref<128x64xf32, #tpu.memory_space<vmem>>
      %dma_wait3A_126 = arith.constant 0 : i32
      %dma_wait3A_127 = tpu.memref_slice %arg5[%add3A_120, %dma_wait3A_126] : memref<64x128xi32, #tpu.memory_space<vmem>> -> memref<1x128xi32, #tpu.memory_space<vmem>>
      %dma_wait3A_128 = tpu.memref_squeeze %dma_wait3A_127 : memref<1x128xi32, #tpu.memory_space<vmem>> -> memref<128xi32, #tpu.memory_space<vmem>>
      %dma_wait3A_129 = arith.constant 0 : i32
      %dma_wait3A_130 = arith.constant 0 : i32
      %dma_wait3A_131 = tpu.memref_slice %arg2[%dma_wait3A_129, %dma_wait3A_130] : memref<8192x64xf32, #tpu.memory_space<hbm>> -> memref<8192x64xf32, #tpu.memory_space<hbm>>
      tpu.wait_indirect_dma semaphore(%arg7 : memref<!tpu.dma_semaphore, #tpu.memory_space<semaphore_mem>>) src(%dma_wait3A_131 : memref<8192x64xf32, #tpu.memory_space<hbm>>) dst(%dma_wait3A_125 : memref<128x64xf32, #tpu.memory_space<vmem>>)
      %add3A_132 = arith.constant 0 : i32
      %add3A_133 = arith.addi %mul3A_118, %add3A_132 : i32
      %mul3A_134 = arith.constant 128 : i32
      %mul3A_135 = arith.muli %add3A_133, %mul3A_134 : i32
      %add3A_136 = arith.addi %mul3A_2, %mul3A_135 : i32
      %dma_start3A_137 = arith.constant 0 : i32
      %dma_start3A_138 = arith.constant 0 : i32
      %dma_start3A_139 = arith.constant 0 : i32
      %dma_start3A_140 = tpu.memref_slice %arg6[%dma_start3A_137, %dma_start3A_138, %dma_start3A_139] : memref<4x128x64xf32, #tpu.memory_space<vmem>> -> memref<1x128x64xf32, #tpu.memory_space<vmem>>
      %dma_start3A_141 = tpu.memref_squeeze %dma_start3A_140 : memref<1x128x64xf32, #tpu.memory_space<vmem>> -> memref<128x64xf32, #tpu.memory_space<vmem>>
      %dma_start3A_142 = arith.constant 0 : i32
      %dma_start3A_143 = tpu.memref_slice %arg4[%add3A_136, %dma_start3A_142] : memref<262144x128xf32, #tpu.memory_space<hbm>> -> memref<128x64xf32, #tpu.memory_space<hbm>>
      %dma_start3A_144 = arith.constant 0 : i32
      %dma_start3A_145 = tpu.memref_slice %arg4[%add3A_136, %dma_start3A_144] : memref<262144x128xf32, #tpu.memory_space<hbm>> -> memref<128x64xf32, #tpu.memory_space<hbm>>
      %dma_start3A_146 = arith.constant 0 : i32
      %dma_start3A_147 = arith.constant 0 : i32
      %dma_start3A_148 = tpu.memref_slice %arg6[%dma_start3A_137, %dma_start3A_146, %dma_start3A_147] : memref<4x128x64xf32, #tpu.memory_space<vmem>> -> memref<1x128x64xf32, #tpu.memory_space<vmem>>
      %dma_start3A_149 = tpu.memref_squeeze %dma_start3A_148 : memref<1x128x64xf32, #tpu.memory_space<vmem>> -> memref<128x64xf32, #tpu.memory_space<vmem>>
      tpu.enqueue_dma source(%dma_start3A_149 : memref<128x64xf32, #tpu.memory_space<vmem>>) target(%dma_start3A_145 : memref<128x64xf32, #tpu.memory_space<hbm>>) target_semaphore(%arg8 : memref<!tpu.dma_semaphore, #tpu.memory_space<semaphore_mem>>)
      %add3A_150 = arith.constant 1 : i32
      %add3A_151 = arith.addi %mul3A_118, %add3A_150 : i32
      %dma_wait3A_152 = arith.constant 1 : i32
      %dma_wait3A_153 = arith.constant 0 : i32
      %dma_wait3A_154 = arith.constant 0 : i32
      %dma_wait3A_155 = tpu.memref_slice %arg6[%dma_wait3A_152, %dma_wait3A_153, %dma_wait3A_154] : memref<4x128x64xf32, #tpu.memory_space<vmem>> -> memref<1x128x64xf32, #tpu.memory_space<vmem>>
      %dma_wait3A_156 = tpu.memref_squeeze %dma_wait3A_155 : memref<1x128x64xf32, #tpu.memory_space<vmem>> -> memref<128x64xf32, #tpu.memory_space<vmem>>
      %dma_wait3A_157 = arith.constant 0 : i32
      %dma_wait3A_158 = tpu.memref_slice %arg5[%add3A_151, %dma_wait3A_157] : memref<64x128xi32, #tpu.memory_space<vmem>> -> memref<1x128xi32, #tpu.memory_space<vmem>>
      %dma_wait3A_159 = tpu.memref_squeeze %dma_wait3A_158 : memref<1x128xi32, #tpu.memory_space<vmem>> -> memref<128xi32, #tpu.memory_space<vmem>>
      %dma_wait3A_160 = arith.constant 0 : i32
      %dma_wait3A_161 = arith.constant 0 : i32
      %dma_wait3A_162 = tpu.memref_slice %arg2[%dma_wait3A_160, %dma_wait3A_161] : memref<8192x64xf32, #tpu.memory_space<hbm>> -> memref<8192x64xf32, #tpu.memory_space<hbm>>
      tpu.wait_indirect_dma semaphore(%arg7 : memref<!tpu.dma_semaphore, #tpu.memory_space<semaphore_mem>>) src(%dma_wait3A_162 : memref<8192x64xf32, #tpu.memory_space<hbm>>) dst(%dma_wait3A_156 : memref<128x64xf32, #tpu.memory_space<vmem>>)
      %add3A_163 = arith.constant 1 : i32
      %add3A_164 = arith.addi %mul3A_118, %add3A_163 : i32
      %mul3A_165 = arith.constant 128 : i32
      %mul3A_166 = arith.muli %add3A_164, %mul3A_165 : i32
      %add3A_167 = arith.addi %mul3A_2, %mul3A_166 : i32
      %dma_start3A_168 = arith.constant 1 : i32
      %dma_start3A_169 = arith.constant 0 : i32
      %dma_start3A_170 = arith.constant 0 : i32
      %dma_start3A_171 = tpu.memref_slice %arg6[%dma_start3A_168, %dma_start3A_169, %dma_start3A_170] : memref<4x128x64xf32, #tpu.memory_space<vmem>> -> memref<1x128x64xf32, #tpu.memory_space<vmem>>
      %dma_start3A_172 = tpu.memref_squeeze %dma_start3A_171 : memref<1x128x64xf32, #tpu.memory_space<vmem>> -> memref<128x64xf32, #tpu.memory_space<vmem>>
      %dma_start3A_173 = arith.constant 0 : i32
      %dma_start3A_174 = tpu.memref_slice %arg4[%add3A_167, %dma_start3A_173] : memref<262144x128xf32, #tpu.memory_space<hbm>> -> memref<128x64xf32, #tpu.memory_space<hbm>>
      %dma_start3A_175 = arith.constant 0 : i32
      %dma_start3A_176 = tpu.memref_slice %arg4[%add3A_167, %dma_start3A_175] : memref<262144x128xf32, #tpu.memory_space<hbm>> -> memref<128x64xf32, #tpu.memory_space<hbm>>
      %dma_start3A_177 = arith.constant 0 : i32
      %dma_start3A_178 = arith.constant 0 : i32
      %dma_start3A_179 = tpu.memref_slice %arg6[%dma_start3A_168, %dma_start3A_177, %dma_start3A_178] : memref<4x128x64xf32, #tpu.memory_space<vmem>> -> memref<1x128x64xf32, #tpu.memory_space<vmem>>
      %dma_start3A_180 = tpu.memref_squeeze %dma_start3A_179 : memref<1x128x64xf32, #tpu.memory_space<vmem>> -> memref<128x64xf32, #tpu.memory_space<vmem>>
      tpu.enqueue_dma source(%dma_start3A_180 : memref<128x64xf32, #tpu.memory_space<vmem>>) target(%dma_start3A_176 : memref<128x64xf32, #tpu.memory_space<hbm>>) target_semaphore(%arg8 : memref<!tpu.dma_semaphore, #tpu.memory_space<semaphore_mem>>)
      %add3A_181 = arith.constant 2 : i32
      %add3A_182 = arith.addi %mul3A_118, %add3A_181 : i32
      %dma_wait3A_183 = arith.constant 2 : i32
      %dma_wait3A_184 = arith.constant 0 : i32
      %dma_wait3A_185 = arith.constant 0 : i32
      %dma_wait3A_186 = tpu.memref_slice %arg6[%dma_wait3A_183, %dma_wait3A_184, %dma_wait3A_185] : memref<4x128x64xf32, #tpu.memory_space<vmem>> -> memref<1x128x64xf32, #tpu.memory_space<vmem>>
      %dma_wait3A_187 = tpu.memref_squeeze %dma_wait3A_186 : memref<1x128x64xf32, #tpu.memory_space<vmem>> -> memref<128x64xf32, #tpu.memory_space<vmem>>
      %dma_wait3A_188 = arith.constant 0 : i32
      %dma_wait3A_189 = tpu.memref_slice %arg5[%add3A_182, %dma_wait3A_188] : memref<64x128xi32, #tpu.memory_space<vmem>> -> memref<1x128xi32, #tpu.memory_space<vmem>>
      %dma_wait3A_190 = tpu.memref_squeeze %dma_wait3A_189 : memref<1x128xi32, #tpu.memory_space<vmem>> -> memref<128xi32, #tpu.memory_space<vmem>>
      %dma_wait3A_191 = arith.constant 0 : i32
      %dma_wait3A_192 = arith.constant 0 : i32
      %dma_wait3A_193 = tpu.memref_slice %arg2[%dma_wait3A_191, %dma_wait3A_192] : memref<8192x64xf32, #tpu.memory_space<hbm>> -> memref<8192x64xf32, #tpu.memory_space<hbm>>
      tpu.wait_indirect_dma semaphore(%arg7 : memref<!tpu.dma_semaphore, #tpu.memory_space<semaphore_mem>>) src(%dma_wait3A_193 : memref<8192x64xf32, #tpu.memory_space<hbm>>) dst(%dma_wait3A_187 : memref<128x64xf32, #tpu.memory_space<vmem>>)
      %add3A_194 = arith.constant 2 : i32
      %add3A_195 = arith.addi %mul3A_118, %add3A_194 : i32
      %mul3A_196 = arith.constant 128 : i32
      %mul3A_197 = arith.muli %add3A_195, %mul3A_196 : i32
      %add3A_198 = arith.addi %mul3A_2, %mul3A_197 : i32
      %dma_start3A_199 = arith.constant 2 : i32
      %dma_start3A_200 = arith.constant 0 : i32
      %dma_start3A_201 = arith.constant 0 : i32
      %dma_start3A_202 = tpu.memref_slice %arg6[%dma_start3A_199, %dma_start3A_200, %dma_start3A_201] : memref<4x128x64xf32, #tpu.memory_space<vmem>> -> memref<1x128x64xf32, #tpu.memory_space<vmem>>
      %dma_start3A_203 = tpu.memref_squeeze %dma_start3A_202 : memref<1x128x64xf32, #tpu.memory_space<vmem>> -> memref<128x64xf32, #tpu.memory_space<vmem>>
      %dma_start3A_204 = arith.constant 0 : i32
      %dma_start3A_205 = tpu.memref_slice %arg4[%add3A_198, %dma_start3A_204] : memref<262144x128xf32, #tpu.memory_space<hbm>> -> memref<128x64xf32, #tpu.memory_space<hbm>>
      %dma_start3A_206 = arith.constant 0 : i32
      %dma_start3A_207 = tpu.memref_slice %arg4[%add3A_198, %dma_start3A_206] : memref<262144x128xf32, #tpu.memory_space<hbm>> -> memref<128x64xf32, #tpu.memory_space<hbm>>
      %dma_start3A_208 = arith.constant 0 : i32
      %dma_start3A_209 = arith.constant 0 : i32
      %dma_start3A_210 = tpu.memref_slice %arg6[%dma_start3A_199, %dma_start3A_208, %dma_start3A_209] : memref<4x128x64xf32, #tpu.memory_space<vmem>> -> memref<1x128x64xf32, #tpu.memory_space<vmem>>
      %dma_start3A_211 = tpu.memref_squeeze %dma_start3A_210 : memref<1x128x64xf32, #tpu.memory_space<vmem>> -> memref<128x64xf32, #tpu.memory_space<vmem>>
      tpu.enqueue_dma source(%dma_start3A_211 : memref<128x64xf32, #tpu.memory_space<vmem>>) target(%dma_start3A_207 : memref<128x64xf32, #tpu.memory_space<hbm>>) target_semaphore(%arg8 : memref<!tpu.dma_semaphore, #tpu.memory_space<semaphore_mem>>)
      %add3A_212 = arith.constant 3 : i32
      %add3A_213 = arith.addi %mul3A_118, %add3A_212 : i32
      %dma_wait3A_214 = arith.constant 3 : i32
      %dma_wait3A_215 = arith.constant 0 : i32
      %dma_wait3A_216 = arith.constant 0 : i32
      %dma_wait3A_217 = tpu.memref_slice %arg6[%dma_wait3A_214, %dma_wait3A_215, %dma_wait3A_216] : memref<4x128x64xf32, #tpu.memory_space<vmem>> -> memref<1x128x64xf32, #tpu.memory_space<vmem>>
      %dma_wait3A_218 = tpu.memref_squeeze %dma_wait3A_217 : memref<1x128x64xf32, #tpu.memory_space<vmem>> -> memref<128x64xf32, #tpu.memory_space<vmem>>
      %dma_wait3A_219 = arith.constant 0 : i32
      %dma_wait3A_220 = tpu.memref_slice %arg5[%add3A_213, %dma_wait3A_219] : memref<64x128xi32, #tpu.memory_space<vmem>> -> memref<1x128xi32, #tpu.memory_space<vmem>>
      %dma_wait3A_221 = tpu.memref_squeeze %dma_wait3A_220 : memref<1x128xi32, #tpu.memory_space<vmem>> -> memref<128xi32, #tpu.memory_space<vmem>>
      %dma_wait3A_222 = arith.constant 0 : i32
      %dma_wait3A_223 = arith.constant 0 : i32
      %dma_wait3A_224 = tpu.memref_slice %arg2[%dma_wait3A_222, %dma_wait3A_223] : memref<8192x64xf32, #tpu.memory_space<hbm>> -> memref<8192x64xf32, #tpu.memory_space<hbm>>
      tpu.wait_indirect_dma semaphore(%arg7 : memref<!tpu.dma_semaphore, #tpu.memory_space<semaphore_mem>>) src(%dma_wait3A_224 : memref<8192x64xf32, #tpu.memory_space<hbm>>) dst(%dma_wait3A_218 : memref<128x64xf32, #tpu.memory_space<vmem>>)
      %add3A_225 = arith.constant 3 : i32
      %add3A_226 = arith.addi %mul3A_118, %add3A_225 : i32
      %mul3A_227 = arith.constant 128 : i32
      %mul3A_228 = arith.muli %add3A_226, %mul3A_227 : i32
      %add3A_229 = arith.addi %mul3A_2, %mul3A_228 : i32
      %dma_start3A_230 = arith.constant 3 : i32
      %dma_start3A_231 = arith.constant 0 : i32
      %dma_start3A_232 = arith.constant 0 : i32
      %dma_start3A_233 = tpu.memref_slice %arg6[%dma_start3A_230, %dma_start3A_231, %dma_start3A_232] : memref<4x128x64xf32, #tpu.memory_space<vmem>> -> memref<1x128x64xf32, #tpu.memory_space<vmem>>
      %dma_start3A_234 = tpu.memref_squeeze %dma_start3A_233 : memref<1x128x64xf32, #tpu.memory_space<vmem>> -> memref<128x64xf32, #tpu.memory_space<vmem>>
      %dma_start3A_235 = arith.constant 0 : i32
      %dma_start3A_236 = tpu.memref_slice %arg4[%add3A_229, %dma_start3A_235] : memref<262144x128xf32, #tpu.memory_space<hbm>> -> memref<128x64xf32, #tpu.memory_space<hbm>>
      %dma_start3A_237 = arith.constant 0 : i32
      %dma_start3A_238 = tpu.memref_slice %arg4[%add3A_229, %dma_start3A_237] : memref<262144x128xf32, #tpu.memory_space<hbm>> -> memref<128x64xf32, #tpu.memory_space<hbm>>
      %dma_start3A_239 = arith.constant 0 : i32
      %dma_start3A_240 = arith.constant 0 : i32
      %dma_start3A_241 = tpu.memref_slice %arg6[%dma_start3A_230, %dma_start3A_239, %dma_start3A_240] : memref<4x128x64xf32, #tpu.memory_space<vmem>> -> memref<1x128x64xf32, #tpu.memory_space<vmem>>
      %dma_start3A_242 = tpu.memref_squeeze %dma_start3A_241 : memref<1x128x64xf32, #tpu.memory_space<vmem>> -> memref<128x64xf32, #tpu.memory_space<vmem>>
      tpu.enqueue_dma source(%dma_start3A_242 : memref<128x64xf32, #tpu.memory_space<vmem>>) target(%dma_start3A_238 : memref<128x64xf32, #tpu.memory_space<hbm>>) target_semaphore(%arg8 : memref<!tpu.dma_semaphore, #tpu.memory_space<semaphore_mem>>)
      %lt3A = arith.constant 15 : i32
      %lt3A_243 = arith.cmpi slt, %scan3A_115, %lt3A : i32
      %convert_element_type3A = arith.extui %lt3A_243 : i1 to i32
      %cond3A = arith.constant 0 : i32
      %cond3A_244 = arith.cmpi ne, %convert_element_type3A, %cond3A : i32
      scf.if %cond3A_244 {
        %add3A_246 = arith.constant 0 : i32
        %add3A_247 = arith.addi %mul3A_118, %add3A_246 : i32
        %mul3A_248 = arith.constant 128 : i32
        %mul3A_249 = arith.muli %add3A_247, %mul3A_248 : i32
        %add3A_250 = arith.addi %mul3A_2, %mul3A_249 : i32
        %dma_wait3A_251 = arith.constant 0 : i32
        %dma_wait3A_252 = arith.constant 0 : i32
        %dma_wait3A_253 = arith.constant 0 : i32
        %dma_wait3A_254 = tpu.memref_slice %arg6[%dma_wait3A_251, %dma_wait3A_252, %dma_wait3A_253] : memref<4x128x64xf32, #tpu.memory_space<vmem>> -> memref<1x128x64xf32, #tpu.memory_space<vmem>>
        %dma_wait3A_255 = tpu.memref_squeeze %dma_wait3A_254 : memref<1x128x64xf32, #tpu.memory_space<vmem>> -> memref<128x64xf32, #tpu.memory_space<vmem>>
        %dma_wait3A_256 = arith.constant 0 : i32
        %dma_wait3A_257 = tpu.memref_slice %arg4[%add3A_250, %dma_wait3A_256] : memref<262144x128xf32, #tpu.memory_space<hbm>> -> memref<128x64xf32, #tpu.memory_space<hbm>>
        %dma_wait3A_258 = arith.constant 0 : i32
        %dma_wait3A_259 = tpu.memref_slice %arg4[%add3A_250, %dma_wait3A_258] : memref<262144x128xf32, #tpu.memory_space<hbm>> -> memref<128x64xf32, #tpu.memory_space<hbm>>
        %dma_wait3A_260 = arith.constant 0 : i32
        %dma_wait3A_261 = arith.constant 0 : i32
        %dma_wait3A_262 = tpu.memref_slice %arg6[%dma_wait3A_251, %dma_wait3A_260, %dma_wait3A_261] : memref<4x128x64xf32, #tpu.memory_space<vmem>> -> memref<1x128x64xf32, #tpu.memory_space<vmem>>
        %dma_wait3A_263 = tpu.memref_squeeze %dma_wait3A_262 : memref<1x128x64xf32, #tpu.memory_space<vmem>> -> memref<128x64xf32, #tpu.memory_space<vmem>>
        tpu.wait_dma2 semaphore(%arg8 : memref<!tpu.dma_semaphore, #tpu.memory_space<semaphore_mem>>) src(%dma_wait3A_263 : memref<128x64xf32, #tpu.memory_space<vmem>>) dst(%dma_wait3A_259 : memref<128x64xf32, #tpu.memory_space<hbm>>)
        %add3A_264 = arith.constant 4 : i32
        %add3A_265 = arith.addi %mul3A_118, %add3A_264 : i32
        %add3A_266 = arith.constant 0 : i32
        %add3A_267 = arith.addi %add3A_265, %add3A_266 : i32
        %dma_start3A_268 = arith.constant 0 : i32
        %dma_start3A_269 = arith.constant 0 : i32
        %dma_start3A_270 = arith.constant 0 : i32
        %dma_start3A_271 = tpu.memref_slice %arg6[%dma_start3A_268, %dma_start3A_269, %dma_start3A_270] : memref<4x128x64xf32, #tpu.memory_space<vmem>> -> memref<1x128x64xf32, #tpu.memory_space<vmem>>
        %dma_start3A_272 = tpu.memref_squeeze %dma_start3A_271 : memref<1x128x64xf32, #tpu.memory_space<vmem>> -> memref<128x64xf32, #tpu.memory_space<vmem>>
        %dma_start3A_273 = arith.constant 0 : i32
        %dma_start3A_274 = tpu.memref_slice %arg5[%add3A_267, %dma_start3A_273] : memref<64x128xi32, #tpu.memory_space<vmem>> -> memref<1x128xi32, #tpu.memory_space<vmem>>
        %dma_start3A_275 = tpu.memref_squeeze %dma_start3A_274 : memref<1x128xi32, #tpu.memory_space<vmem>> -> memref<128xi32, #tpu.memory_space<vmem>>
        %dma_start3A_276 = arith.constant 0 : i32
        %dma_start3A_277 = arith.constant 0 : i32
        %dma_start3A_278 = tpu.memref_slice %arg2[%dma_start3A_276, %dma_start3A_277] : memref<8192x64xf32, #tpu.memory_space<hbm>> -> memref<8192x64xf32, #tpu.memory_space<hbm>>
        tpu.enqueue_indirect_dma source(%dma_start3A_278 : memref<8192x64xf32, #tpu.memory_space<hbm>>) target(%dma_start3A_272 : memref<128x64xf32, #tpu.memory_space<vmem>>) offsets(%dma_start3A_275 : memref<128xi32, #tpu.memory_space<vmem>>) semaphore(%arg7 : memref<!tpu.dma_semaphore, #tpu.memory_space<semaphore_mem>>)
        %add3A_279 = arith.constant 1 : i32
        %add3A_280 = arith.addi %mul3A_118, %add3A_279 : i32
        %mul3A_281 = arith.constant 128 : i32
        %mul3A_282 = arith.muli %add3A_280, %mul3A_281 : i32
        %add3A_283 = arith.addi %mul3A_2, %mul3A_282 : i32
        %dma_wait3A_284 = arith.constant 1 : i32
        %dma_wait3A_285 = arith.constant 0 : i32
        %dma_wait3A_286 = arith.constant 0 : i32
        %dma_wait3A_287 = tpu.memref_slice %arg6[%dma_wait3A_284, %dma_wait3A_285, %dma_wait3A_286] : memref<4x128x64xf32, #tpu.memory_space<vmem>> -> memref<1x128x64xf32, #tpu.memory_space<vmem>>
        %dma_wait3A_288 = tpu.memref_squeeze %dma_wait3A_287 : memref<1x128x64xf32, #tpu.memory_space<vmem>> -> memref<128x64xf32, #tpu.memory_space<vmem>>
        %dma_wait3A_289 = arith.constant 0 : i32
        %dma_wait3A_290 = tpu.memref_slice %arg4[%add3A_283, %dma_wait3A_289] : memref<262144x128xf32, #tpu.memory_space<hbm>> -> memref<128x64xf32, #tpu.memory_space<hbm>>
        %dma_wait3A_291 = arith.constant 0 : i32
        %dma_wait3A_292 = tpu.memref_slice %arg4[%add3A_283, %dma_wait3A_291] : memref<262144x128xf32, #tpu.memory_space<hbm>> -> memref<128x64xf32, #tpu.memory_space<hbm>>
        %dma_wait3A_293 = arith.constant 0 : i32
        %dma_wait3A_294 = arith.constant 0 : i32
        %dma_wait3A_295 = tpu.memref_slice %arg6[%dma_wait3A_284, %dma_wait3A_293, %dma_wait3A_294] : memref<4x128x64xf32, #tpu.memory_space<vmem>> -> memref<1x128x64xf32, #tpu.memory_space<vmem>>
        %dma_wait3A_296 = tpu.memref_squeeze %dma_wait3A_295 : memref<1x128x64xf32, #tpu.memory_space<vmem>> -> memref<128x64xf32, #tpu.memory_space<vmem>>
        tpu.wait_dma2 semaphore(%arg8 : memref<!tpu.dma_semaphore, #tpu.memory_space<semaphore_mem>>) src(%dma_wait3A_296 : memref<128x64xf32, #tpu.memory_space<vmem>>) dst(%dma_wait3A_292 : memref<128x64xf32, #tpu.memory_space<hbm>>)
        %add3A_297 = arith.constant 4 : i32
        %add3A_298 = arith.addi %mul3A_118, %add3A_297 : i32
        %add3A_299 = arith.constant 1 : i32
        %add3A_300 = arith.addi %add3A_298, %add3A_299 : i32
        %dma_start3A_301 = arith.constant 1 : i32
        %dma_start3A_302 = arith.constant 0 : i32
        %dma_start3A_303 = arith.constant 0 : i32
        %dma_start3A_304 = tpu.memref_slice %arg6[%dma_start3A_301, %dma_start3A_302, %dma_start3A_303] : memref<4x128x64xf32, #tpu.memory_space<vmem>> -> memref<1x128x64xf32, #tpu.memory_space<vmem>>
        %dma_start3A_305 = tpu.memref_squeeze %dma_start3A_304 : memref<1x128x64xf32, #tpu.memory_space<vmem>> -> memref<128x64xf32, #tpu.memory_space<vmem>>
        %dma_start3A_306 = arith.constant 0 : i32
        %dma_start3A_307 = tpu.memref_slice %arg5[%add3A_300, %dma_start3A_306] : memref<64x128xi32, #tpu.memory_space<vmem>> -> memref<1x128xi32, #tpu.memory_space<vmem>>
        %dma_start3A_308 = tpu.memref_squeeze %dma_start3A_307 : memref<1x128xi32, #tpu.memory_space<vmem>> -> memref<128xi32, #tpu.memory_space<vmem>>
        %dma_start3A_309 = arith.constant 0 : i32
        %dma_start3A_310 = arith.constant 0 : i32
        %dma_start3A_311 = tpu.memref_slice %arg2[%dma_start3A_309, %dma_start3A_310] : memref<8192x64xf32, #tpu.memory_space<hbm>> -> memref<8192x64xf32, #tpu.memory_space<hbm>>
        tpu.enqueue_indirect_dma source(%dma_start3A_311 : memref<8192x64xf32, #tpu.memory_space<hbm>>) target(%dma_start3A_305 : memref<128x64xf32, #tpu.memory_space<vmem>>) offsets(%dma_start3A_308 : memref<128xi32, #tpu.memory_space<vmem>>) semaphore(%arg7 : memref<!tpu.dma_semaphore, #tpu.memory_space<semaphore_mem>>)
        %add3A_312 = arith.constant 2 : i32
        %add3A_313 = arith.addi %mul3A_118, %add3A_312 : i32
        %mul3A_314 = arith.constant 128 : i32
        %mul3A_315 = arith.muli %add3A_313, %mul3A_314 : i32
        %add3A_316 = arith.addi %mul3A_2, %mul3A_315 : i32
        %dma_wait3A_317 = arith.constant 2 : i32
        %dma_wait3A_318 = arith.constant 0 : i32
        %dma_wait3A_319 = arith.constant 0 : i32
        %dma_wait3A_320 = tpu.memref_slice %arg6[%dma_wait3A_317, %dma_wait3A_318, %dma_wait3A_319] : memref<4x128x64xf32, #tpu.memory_space<vmem>> -> memref<1x128x64xf32, #tpu.memory_space<vmem>>
        %dma_wait3A_321 = tpu.memref_squeeze %dma_wait3A_320 : memref<1x128x64xf32, #tpu.memory_space<vmem>> -> memref<128x64xf32, #tpu.memory_space<vmem>>
        %dma_wait3A_322 = arith.constant 0 : i32
        %dma_wait3A_323 = tpu.memref_slice %arg4[%add3A_316, %dma_wait3A_322] : memref<262144x128xf32, #tpu.memory_space<hbm>> -> memref<128x64xf32, #tpu.memory_space<hbm>>
        %dma_wait3A_324 = arith.constant 0 : i32
        %dma_wait3A_325 = tpu.memref_slice %arg4[%add3A_316, %dma_wait3A_324] : memref<262144x128xf32, #tpu.memory_space<hbm>> -> memref<128x64xf32, #tpu.memory_space<hbm>>
        %dma_wait3A_326 = arith.constant 0 : i32
        %dma_wait3A_327 = arith.constant 0 : i32
        %dma_wait3A_328 = tpu.memref_slice %arg6[%dma_wait3A_317, %dma_wait3A_326, %dma_wait3A_327] : memref<4x128x64xf32, #tpu.memory_space<vmem>> -> memref<1x128x64xf32, #tpu.memory_space<vmem>>
        %dma_wait3A_329 = tpu.memref_squeeze %dma_wait3A_328 : memref<1x128x64xf32, #tpu.memory_space<vmem>> -> memref<128x64xf32, #tpu.memory_space<vmem>>
        tpu.wait_dma2 semaphore(%arg8 : memref<!tpu.dma_semaphore, #tpu.memory_space<semaphore_mem>>) src(%dma_wait3A_329 : memref<128x64xf32, #tpu.memory_space<vmem>>) dst(%dma_wait3A_325 : memref<128x64xf32, #tpu.memory_space<hbm>>)
        %add3A_330 = arith.constant 4 : i32
        %add3A_331 = arith.addi %mul3A_118, %add3A_330 : i32
        %add3A_332 = arith.constant 2 : i32
        %add3A_333 = arith.addi %add3A_331, %add3A_332 : i32
        %dma_start3A_334 = arith.constant 2 : i32
        %dma_start3A_335 = arith.constant 0 : i32
        %dma_start3A_336 = arith.constant 0 : i32
        %dma_start3A_337 = tpu.memref_slice %arg6[%dma_start3A_334, %dma_start3A_335, %dma_start3A_336] : memref<4x128x64xf32, #tpu.memory_space<vmem>> -> memref<1x128x64xf32, #tpu.memory_space<vmem>>
        %dma_start3A_338 = tpu.memref_squeeze %dma_start3A_337 : memref<1x128x64xf32, #tpu.memory_space<vmem>> -> memref<128x64xf32, #tpu.memory_space<vmem>>
        %dma_start3A_339 = arith.constant 0 : i32
        %dma_start3A_340 = tpu.memref_slice %arg5[%add3A_333, %dma_start3A_339] : memref<64x128xi32, #tpu.memory_space<vmem>> -> memref<1x128xi32, #tpu.memory_space<vmem>>
        %dma_start3A_341 = tpu.memref_squeeze %dma_start3A_340 : memref<1x128xi32, #tpu.memory_space<vmem>> -> memref<128xi32, #tpu.memory_space<vmem>>
        %dma_start3A_342 = arith.constant 0 : i32
        %dma_start3A_343 = arith.constant 0 : i32
        %dma_start3A_344 = tpu.memref_slice %arg2[%dma_start3A_342, %dma_start3A_343] : memref<8192x64xf32, #tpu.memory_space<hbm>> -> memref<8192x64xf32, #tpu.memory_space<hbm>>
        tpu.enqueue_indirect_dma source(%dma_start3A_344 : memref<8192x64xf32, #tpu.memory_space<hbm>>) target(%dma_start3A_338 : memref<128x64xf32, #tpu.memory_space<vmem>>) offsets(%dma_start3A_341 : memref<128xi32, #tpu.memory_space<vmem>>) semaphore(%arg7 : memref<!tpu.dma_semaphore, #tpu.memory_space<semaphore_mem>>)
        %add3A_345 = arith.constant 3 : i32
        %add3A_346 = arith.addi %mul3A_118, %add3A_345 : i32
        %mul3A_347 = arith.constant 128 : i32
        %mul3A_348 = arith.muli %add3A_346, %mul3A_347 : i32
        %add3A_349 = arith.addi %mul3A_2, %mul3A_348 : i32
        %dma_wait3A_350 = arith.constant 3 : i32
        %dma_wait3A_351 = arith.constant 0 : i32
        %dma_wait3A_352 = arith.constant 0 : i32
        %dma_wait3A_353 = tpu.memref_slice %arg6[%dma_wait3A_350, %dma_wait3A_351, %dma_wait3A_352] : memref<4x128x64xf32, #tpu.memory_space<vmem>> -> memref<1x128x64xf32, #tpu.memory_space<vmem>>
        %dma_wait3A_354 = tpu.memref_squeeze %dma_wait3A_353 : memref<1x128x64xf32, #tpu.memory_space<vmem>> -> memref<128x64xf32, #tpu.memory_space<vmem>>
        %dma_wait3A_355 = arith.constant 0 : i32
        %dma_wait3A_356 = tpu.memref_slice %arg4[%add3A_349, %dma_wait3A_355] : memref<262144x128xf32, #tpu.memory_space<hbm>> -> memref<128x64xf32, #tpu.memory_space<hbm>>
        %dma_wait3A_357 = arith.constant 0 : i32
        %dma_wait3A_358 = tpu.memref_slice %arg4[%add3A_349, %dma_wait3A_357] : memref<262144x128xf32, #tpu.memory_space<hbm>> -> memref<128x64xf32, #tpu.memory_space<hbm>>
        %dma_wait3A_359 = arith.constant 0 : i32
        %dma_wait3A_360 = arith.constant 0 : i32
        %dma_wait3A_361 = tpu.memref_slice %arg6[%dma_wait3A_350, %dma_wait3A_359, %dma_wait3A_360] : memref<4x128x64xf32, #tpu.memory_space<vmem>> -> memref<1x128x64xf32, #tpu.memory_space<vmem>>
        %dma_wait3A_362 = tpu.memref_squeeze %dma_wait3A_361 : memref<1x128x64xf32, #tpu.memory_space<vmem>> -> memref<128x64xf32, #tpu.memory_space<vmem>>
        tpu.wait_dma2 semaphore(%arg8 : memref<!tpu.dma_semaphore, #tpu.memory_space<semaphore_mem>>) src(%dma_wait3A_362 : memref<128x64xf32, #tpu.memory_space<vmem>>) dst(%dma_wait3A_358 : memref<128x64xf32, #tpu.memory_space<hbm>>)
        %add3A_363 = arith.constant 4 : i32
        %add3A_364 = arith.addi %mul3A_118, %add3A_363 : i32
        %add3A_365 = arith.constant 3 : i32
        %add3A_366 = arith.addi %add3A_364, %add3A_365 : i32
        %dma_start3A_367 = arith.constant 3 : i32
        %dma_start3A_368 = arith.constant 0 : i32
        %dma_start3A_369 = arith.constant 0 : i32
        %dma_start3A_370 = tpu.memref_slice %arg6[%dma_start3A_367, %dma_start3A_368, %dma_start3A_369] : memref<4x128x64xf32, #tpu.memory_space<vmem>> -> memref<1x128x64xf32, #tpu.memory_space<vmem>>
        %dma_start3A_371 = tpu.memref_squeeze %dma_start3A_370 : memref<1x128x64xf32, #tpu.memory_space<vmem>> -> memref<128x64xf32, #tpu.memory_space<vmem>>
        %dma_start3A_372 = arith.constant 0 : i32
        %dma_start3A_373 = tpu.memref_slice %arg5[%add3A_366, %dma_start3A_372] : memref<64x128xi32, #tpu.memory_space<vmem>> -> memref<1x128xi32, #tpu.memory_space<vmem>>
        %dma_start3A_374 = tpu.memref_squeeze %dma_start3A_373 : memref<1x128xi32, #tpu.memory_space<vmem>> -> memref<128xi32, #tpu.memory_space<vmem>>
        %dma_start3A_375 = arith.constant 0 : i32
        %dma_start3A_376 = arith.constant 0 : i32
        %dma_start3A_377 = tpu.memref_slice %arg2[%dma_start3A_375, %dma_start3A_376] : memref<8192x64xf32, #tpu.memory_space<hbm>> -> memref<8192x64xf32, #tpu.memory_space<hbm>>
        tpu.enqueue_indirect_dma source(%dma_start3A_377 : memref<8192x64xf32, #tpu.memory_space<hbm>>) target(%dma_start3A_371 : memref<128x64xf32, #tpu.memory_space<vmem>>) offsets(%dma_start3A_374 : memref<128xi32, #tpu.memory_space<vmem>>) semaphore(%arg7 : memref<!tpu.dma_semaphore, #tpu.memory_space<semaphore_mem>>)
      } else {
      }
      %scan3A_245 = arith.constant 0 : i32
      scf.yield %scan3A_245 : i32
    }
    %scan3A_55 = arith.constant 16 : i32
    %add3A_56 = arith.constant 7680 : i32
    %add3A_57 = arith.addi %mul3A_2, %add3A_56 : i32
    %dma_wait3A = arith.constant 0 : i32
    %dma_wait3A_58 = arith.constant 0 : i32
    %dma_wait3A_59 = arith.constant 0 : i32
    %dma_wait3A_60 = tpu.memref_slice %arg6[%dma_wait3A, %dma_wait3A_58, %dma_wait3A_59] : memref<4x128x64xf32, #tpu.memory_space<vmem>> -> memref<1x128x64xf32, #tpu.memory_space<vmem>>
    %dma_wait3A_61 = tpu.memref_squeeze %dma_wait3A_60 : memref<1x128x64xf32, #tpu.memory_space<vmem>> -> memref<128x64xf32, #tpu.memory_space<vmem>>
    %dma_wait3A_62 = arith.constant 0 : i32
    %dma_wait3A_63 = tpu.memref_slice %arg4[%add3A_57, %dma_wait3A_62] : memref<262144x128xf32, #tpu.memory_space<hbm>> -> memref<128x64xf32, #tpu.memory_space<hbm>>
    %dma_wait3A_64 = arith.constant 0 : i32
    %dma_wait3A_65 = tpu.memref_slice %arg4[%add3A_57, %dma_wait3A_64] : memref<262144x128xf32, #tpu.memory_space<hbm>> -> memref<128x64xf32, #tpu.memory_space<hbm>>
    %dma_wait3A_66 = arith.constant 0 : i32
    %dma_wait3A_67 = arith.constant 0 : i32
    %dma_wait3A_68 = tpu.memref_slice %arg6[%dma_wait3A, %dma_wait3A_66, %dma_wait3A_67] : memref<4x128x64xf32, #tpu.memory_space<vmem>> -> memref<1x128x64xf32, #tpu.memory_space<vmem>>
    %dma_wait3A_69 = tpu.memref_squeeze %dma_wait3A_68 : memref<1x128x64xf32, #tpu.memory_space<vmem>> -> memref<128x64xf32, #tpu.memory_space<vmem>>
    tpu.wait_dma2 semaphore(%arg8 : memref<!tpu.dma_semaphore, #tpu.memory_space<semaphore_mem>>) src(%dma_wait3A_69 : memref<128x64xf32, #tpu.memory_space<vmem>>) dst(%dma_wait3A_65 : memref<128x64xf32, #tpu.memory_space<hbm>>)
    %add3A_70 = arith.constant 7808 : i32
    %add3A_71 = arith.addi %mul3A_2, %add3A_70 : i32
    %dma_wait3A_72 = arith.constant 1 : i32
    %dma_wait3A_73 = arith.constant 0 : i32
    %dma_wait3A_74 = arith.constant 0 : i32
    %dma_wait3A_75 = tpu.memref_slice %arg6[%dma_wait3A_72, %dma_wait3A_73, %dma_wait3A_74] : memref<4x128x64xf32, #tpu.memory_space<vmem>> -> memref<1x128x64xf32, #tpu.memory_space<vmem>>
    %dma_wait3A_76 = tpu.memref_squeeze %dma_wait3A_75 : memref<1x128x64xf32, #tpu.memory_space<vmem>> -> memref<128x64xf32, #tpu.memory_space<vmem>>
    %dma_wait3A_77 = arith.constant 0 : i32
    %dma_wait3A_78 = tpu.memref_slice %arg4[%add3A_71, %dma_wait3A_77] : memref<262144x128xf32, #tpu.memory_space<hbm>> -> memref<128x64xf32, #tpu.memory_space<hbm>>
    %dma_wait3A_79 = arith.constant 0 : i32
    %dma_wait3A_80 = tpu.memref_slice %arg4[%add3A_71, %dma_wait3A_79] : memref<262144x128xf32, #tpu.memory_space<hbm>> -> memref<128x64xf32, #tpu.memory_space<hbm>>
    %dma_wait3A_81 = arith.constant 0 : i32
    %dma_wait3A_82 = arith.constant 0 : i32
    %dma_wait3A_83 = tpu.memref_slice %arg6[%dma_wait3A_72, %dma_wait3A_81, %dma_wait3A_82] : memref<4x128x64xf32, #tpu.memory_space<vmem>> -> memref<1x128x64xf32, #tpu.memory_space<vmem>>
    %dma_wait3A_84 = tpu.memref_squeeze %dma_wait3A_83 : memref<1x128x64xf32, #tpu.memory_space<vmem>> -> memref<128x64xf32, #tpu.memory_space<vmem>>
    tpu.wait_dma2 semaphore(%arg8 : memref<!tpu.dma_semaphore, #tpu.memory_space<semaphore_mem>>) src(%dma_wait3A_84 : memref<128x64xf32, #tpu.memory_space<vmem>>) dst(%dma_wait3A_80 : memref<128x64xf32, #tpu.memory_space<hbm>>)
    %add3A_85 = arith.constant 7936 : i32
    %add3A_86 = arith.addi %mul3A_2, %add3A_85 : i32
    %dma_wait3A_87 = arith.constant 2 : i32
    %dma_wait3A_88 = arith.constant 0 : i32
    %dma_wait3A_89 = arith.constant 0 : i32
    %dma_wait3A_90 = tpu.memref_slice %arg6[%dma_wait3A_87, %dma_wait3A_88, %dma_wait3A_89] : memref<4x128x64xf32, #tpu.memory_space<vmem>> -> memref<1x128x64xf32, #tpu.memory_space<vmem>>
    %dma_wait3A_91 = tpu.memref_squeeze %dma_wait3A_90 : memref<1x128x64xf32, #tpu.memory_space<vmem>> -> memref<128x64xf32, #tpu.memory_space<vmem>>
    %dma_wait3A_92 = arith.constant 0 : i32
    %dma_wait3A_93 = tpu.memref_slice %arg4[%add3A_86, %dma_wait3A_92] : memref<262144x128xf32, #tpu.memory_space<hbm>> -> memref<128x64xf32, #tpu.memory_space<hbm>>
    %dma_wait3A_94 = arith.constant 0 : i32
    %dma_wait3A_95 = tpu.memref_slice %arg4[%add3A_86, %dma_wait3A_94] : memref<262144x128xf32, #tpu.memory_space<hbm>> -> memref<128x64xf32, #tpu.memory_space<hbm>>
    %dma_wait3A_96 = arith.constant 0 : i32
    %dma_wait3A_97 = arith.constant 0 : i32
    %dma_wait3A_98 = tpu.memref_slice %arg6[%dma_wait3A_87, %dma_wait3A_96, %dma_wait3A_97] : memref<4x128x64xf32, #tpu.memory_space<vmem>> -> memref<1x128x64xf32, #tpu.memory_space<vmem>>
    %dma_wait3A_99 = tpu.memref_squeeze %dma_wait3A_98 : memref<1x128x64xf32, #tpu.memory_space<vmem>> -> memref<128x64xf32, #tpu.memory_space<vmem>>
    tpu.wait_dma2 semaphore(%arg8 : memref<!tpu.dma_semaphore, #tpu.memory_space<semaphore_mem>>) src(%dma_wait3A_99 : memref<128x64xf32, #tpu.memory_space<vmem>>) dst(%dma_wait3A_95 : memref<128x64xf32, #tpu.memory_space<hbm>>)
    %add3A_100 = arith.constant 8064 : i32
    %add3A_101 = arith.addi %mul3A_2, %add3A_100 : i32
    %dma_wait3A_102 = arith.constant 3 : i32
    %dma_wait3A_103 = arith.constant 0 : i32
    %dma_wait3A_104 = arith.constant 0 : i32
    %dma_wait3A_105 = tpu.memref_slice %arg6[%dma_wait3A_102, %dma_wait3A_103, %dma_wait3A_104] : memref<4x128x64xf32, #tpu.memory_space<vmem>> -> memref<1x128x64xf32, #tpu.memory_space<vmem>>
    %dma_wait3A_106 = tpu.memref_squeeze %dma_wait3A_105 : memref<1x128x64xf32, #tpu.memory_space<vmem>> -> memref<128x64xf32, #tpu.memory_space<vmem>>
    %dma_wait3A_107 = arith.constant 0 : i32
    %dma_wait3A_108 = tpu.memref_slice %arg4[%add3A_101, %dma_wait3A_107] : memref<262144x128xf32, #tpu.memory_space<hbm>> -> memref<128x64xf32, #tpu.memory_space<hbm>>
    %dma_wait3A_109 = arith.constant 0 : i32
    %dma_wait3A_110 = tpu.memref_slice %arg4[%add3A_101, %dma_wait3A_109] : memref<262144x128xf32, #tpu.memory_space<hbm>> -> memref<128x64xf32, #tpu.memory_space<hbm>>
    %dma_wait3A_111 = arith.constant 0 : i32
    %dma_wait3A_112 = arith.constant 0 : i32
    %dma_wait3A_113 = tpu.memref_slice %arg6[%dma_wait3A_102, %dma_wait3A_111, %dma_wait3A_112] : memref<4x128x64xf32, #tpu.memory_space<vmem>> -> memref<1x128x64xf32, #tpu.memory_space<vmem>>
    %dma_wait3A_114 = tpu.memref_squeeze %dma_wait3A_113 : memref<1x128x64xf32, #tpu.memory_space<vmem>> -> memref<128x64xf32, #tpu.memory_space<vmem>>
    tpu.wait_dma2 semaphore(%arg8 : memref<!tpu.dma_semaphore, #tpu.memory_space<semaphore_mem>>) src(%dma_wait3A_114 : memref<128x64xf32, #tpu.memory_space<vmem>>) dst(%dma_wait3A_110 : memref<128x64xf32, #tpu.memory_space<hbm>>)
    return
  }
}

module attributes {stable_mosaic.version = 14 : i64} {
  func.func @_tc_prep_body(%arg0: memref<16x8x2048xi32, #tpu.memory_space<vmem>>, %arg1: memref<8192x64xf32, #tpu.memory_space<vmem>>, %arg2: memref<64x64xf32, #tpu.memory_space<vmem>>, %arg3: memref<1x64xf32, #tpu.memory_space<vmem>>, %arg4: memref<16x8x16x128xi32, #tpu.memory_space<vmem>>, %arg5: memref<8192x64xf32, #tpu.memory_space<vmem>>) attributes {dimension_semantics = [], scalar_prefetch = 0 : i64, scratch_operands = 0 : i64, tpu.core_type = #tpu.core_type<tc>} {
    %get3A = arith.constant 0 : index
    %get3A_0 = arith.constant 0 : index
    %get3A_1 = arith.constant 0 : index
    %get3A_2 = vector.load %arg0[%get3A, %get3A_0, %get3A_1] : memref<16x8x2048xi32, #tpu.memory_space<vmem>>, vector<16x8x2048xi32>
    %iota3A = tpu.iota {dimensions = array<i32: 1>} : vector<16x8x16x128xi32>
    %mul3A = arith.constant 1024 : i32
    %mul3A_3 = vector.broadcast %mul3A : i32 to vector<16x8x16x128xi32>
    %mul3A_4 = arith.muli %iota3A, %mul3A_3 : vector<16x8x16x128xi32>
    %reshape3A = vector.shape_cast %get3A_2 : vector<16x8x2048xi32> to vector<16x8x16x128xi32>
    %add3A = arith.addi %reshape3A, %mul3A_4 : vector<16x8x16x128xi32>
    %swap3A = arith.constant 0 : index
    %swap3A_5 = arith.constant 0 : index
    %swap3A_6 = arith.constant 0 : index
    %swap3A_7 = arith.constant 0 : index
    %swap3A_8 = vector.load %arg4[%swap3A, %swap3A_5, %swap3A_6, %swap3A_7] : memref<16x8x16x128xi32, #tpu.memory_space<vmem>>, vector<16x8x16x128xi32>
    tpu.vector_store %arg4[%swap3A, %swap3A_5, %swap3A_6, %swap3A_7], %add3A {strides = array<i32>} : memref<16x8x16x128xi32, #tpu.memory_space<vmem>>, vector<16x8x16x128xi32>,
    %get3A_9 = arith.constant 0 : index
    %get3A_10 = arith.constant 0 : index
    %get3A_11 = vector.load %arg1[%get3A_9, %get3A_10] : memref<8192x64xf32, #tpu.memory_space<vmem>>, vector<8192x64xf32>
    %get3A_12 = arith.constant 0 : index
    %get3A_13 = arith.constant 0 : index
    %get3A_14 = vector.load %arg2[%get3A_12, %get3A_13] : memref<64x64xf32, #tpu.memory_space<vmem>>, vector<64x64xf32>
    %dot_general3A = arith.constant dense<0.000000e+00> : vector<8192x64xf32>
    %dot_general3A_15 = tpu.matmul %get3A_11, %get3A_14, %dot_general3A {dimension_numbers = #tpu.dot_dimension_numbers<[1], [0], [0], [1], [0, 0, 1, 1], [], []>, transpose_lhs_hint = false} : vector<8192x64xf32>, vector<64x64xf32>, vector<8192x64xf32> -> vector<8192x64xf32>
    %get3A_16 = arith.constant 0 : index
    %get3A_17 = arith.constant 0 : index
    %get3A_18 = vector.load %arg3[%get3A_16, %get3A_17] : memref<1x64xf32, #tpu.memory_space<vmem>>, vector<1x64xf32>
    %add3A_19 = vector.broadcast %get3A_18 : vector<1x64xf32> to vector<8192x64xf32>
    %add3A_20 = arith.addf %dot_general3A_15, %add3A_19 : vector<8192x64xf32>
    %swap3A_21 = arith.constant 0 : index
    %swap3A_22 = arith.constant 0 : index
    %swap3A_23 = vector.load %arg5[%swap3A_21, %swap3A_22] : memref<8192x64xf32, #tpu.memory_space<vmem>>, vector<8192x64xf32>
    tpu.vector_store %arg5[%swap3A_21, %swap3A_22], %add3A_20 {strides = array<i32>} : memref<8192x64xf32, #tpu.memory_space<vmem>>, vector<8192x64xf32>,
    return
  }
}

module attributes {stable_mosaic.version = 14 : i64} {
  func.func @_transpose_body(%arg0: i32, %arg1: i32, %arg2: memref<2048x128xf32, #tpu.memory_space<vmem>>, %arg3: memref<1x1x64x2048xf32, #tpu.memory_space<vmem>>) attributes {dimension_semantics = [#tpu.dimension_semantics<arbitrary>, #tpu.dimension_semantics<arbitrary>], iteration_bounds = array<i64: 16, 8>, scalar_prefetch = 0 : i64, scratch_operands = 0 : i64, tpu.core_type = #tpu.core_type<tc>, window_params = [{transform_indices = @transform_0, window_bounds = array<i64: 2048, 128>}, {transform_indices = @transform_1, window_bounds = array<i64: 1, 1, 64, 2048>}]} {
    %get3A = arith.constant 0 : index
    %get3A_0 = arith.constant 0 : index
    %get3A_1 = vector.load %arg2[%get3A, %get3A_0] : memref<2048x128xf32, #tpu.memory_space<vmem>>, vector<2048x128xf32>
    %transpose3A = tpu.transpose %get3A_1, [1, 0] : vector<2048x128xf32> -> vector<128x2048xf32>
    %slice3A = vector.extract_strided_slice %transpose3A {offsets = [0, 0], sizes = [64, 2048], strides = [1, 1]} : vector<128x2048xf32> to vector<64x2048xf32>
    %swap3A = arith.constant 0 : index
    %swap3A_2 = arith.constant 0 : index
    %swap3A_3 = arith.constant 0 : index
    %swap3A_4 = arith.constant 0 : index
    %swap3A_5 = vector.load %arg3[%swap3A, %swap3A_2, %swap3A_3, %swap3A_4] : memref<1x1x64x2048xf32, #tpu.memory_space<vmem>>, vector<1x1x64x2048xf32>
    %swap3A_6 = vector.shape_cast %swap3A_5 : vector<1x1x64x2048xf32> to vector<64x2048xf32>
    %swap3A_7 = vector.shape_cast %slice3A : vector<64x2048xf32> to vector<1x1x64x2048xf32>
    tpu.vector_store %arg3[%swap3A, %swap3A_2, %swap3A_3, %swap3A_4], %swap3A_7 {strides = array<i32>} : memref<1x1x64x2048xf32, #tpu.memory_space<vmem>>, vector<1x1x64x2048xf32>,
    return
  }
  func.func @transform_0(%arg0: i32, %arg1: i32) -> (i32, i32) {
    %mul3A = arith.constant 8 : i32
    %mul3A_0 = arith.muli %arg0, %mul3A : i32
    %add3A = arith.addi %mul3A_0, %arg1 : i32
    %c0_i32 = arith.constant 0 : i32
    %c0_i32_1 = arith.constant 0 : i32
    return %add3A, %c0_i32 : i32, i32
  }
  func.func @transform_1(%arg0: i32, %arg1: i32) -> (i32, i32, i32, i32) {
    %c0_i32 = arith.constant 0 : i32
    %c0_i32_0 = arith.constant 0 : i32
    %c0_i32_1 = arith.constant 0 : i32
    return %arg0, %arg1, %c0_i32, %c0_i32_0 : i32, i32, i32, i32
  }
}

</mosaic_0001>

<sc_bundles>
// kernel: kernel.5.cloned.1.call-start
scs
__scs_entry_jumppad:
0x0: {  	(pc) =	sbr.rel $0x88, $3  }
0x1: {  	(tag) =	ssettag $0x0;
	lr =	simm.s32 $0x1  }
0x2: {  	[smem:$0x3F9D] =	sst lr;
	_ =	strace $0xD0000000  }
0x3: {  	_ = 	snop  }
0x4: {  	_ = 	snop  }
0x5: {  	_ = 	snop  }
0x6: {  	_ = 	snop  }
0x7: {  	_ = 	snop  }
__scs_overlays_trampoline_lowered:
0x8: {  	[smem:$0x3FAC] =	sst s0  }
0x9: {  	[smem:$0x3FAD] =	sst s1  }
0xa: {  	[smem:$0x3FAE] =	sst s2  }
0xb: {  	[smem:$0x3FAF] =	sst s3  }
0xc: {  	[smem:$0x3FB0] =	sst s4  }
0xd: {  	[smem:$0x3FB1] =	sst s5  }
0xe: {  	[smem:$0x3FB2] =	sst s6  }
0xf: {  	[smem:$0x3FB3] =	sst s7  }
0x10: {  	[smem:$0x3FB4] =	sst s8  }
0x11: {  	[smem:$0x3FB5] =	sst s9;
	s0 =	simm.s32 @!p0 $0x0  }
0x12: {  	s1 =	sld [smem:$0x3F9B];
	s0 =	simm.s32 @p0 $0x1  }
0x13: {  	[smem:$0x3FB6] =	sst s0;
	s0 =	simm.s32 @!p1 $0x0  }
0x14: {  	s2 =	sld [smem:$0x3F9A];
	s0 =	simm.s32 @p1 $0x1  }
0x15: {  	[smem:$0x3FB7] =	sst s0;
	s0 =	simm.s32 @!p2 $0x0  }
0x16: {  	s3 =	sld [smem:$0x3FDB];
	s0 =	simm.s32 @p2 $0x1  }
0x17: {  	s4 =	simm.s32 $0x1BF5;
	[smem:$0x3FB9] =	sst s0  }
0x18: {  	s0 =	sld [smem:$0x3F9C];
	_ =	swait.ge [sflag:s4], $0x0  }
0x19: {  	s7 =	sld [smem:$0x3F9D]  }
0x1a: {  	s8 =	sadd.s32 $0xFFFFE003, lr  }
0x1b: {  	s9 =	sadd.s32 $0xFFFFFEF7, lr;
	s5 =	simm.s32 $0xFFFFFFFF;
	p2 =	slt.u32 s8, $0xFFFFF086  }
0x1c: {  	p1 =	slt.u32 s9, $0xF7A;
	s5 =	simm.s32 @!p2 $0x0  }
0x1d: {  	s5 =	simm.s32 @p1 $0x1;
	p0 =	seq.s32 s7, s2  }
0x1e: {  	s7 =	smul.u32 @!p0 $0xF7A, s2;
	p2 =	seq.s32 @!p0 s5, $0x0  }
0x1f: {  	s9 =	smul.u32 $0xF7A, s1;
	s8 =	simm.s32 @!p0 $0x1BF5;
	p2 =	por !p2, p0  }
0x20: {  	[sflag:s8] =	ssyncset.s32 @!p0 $0xFFFFF086;
	s6 =	sadd.s32 @!p0 s3, s7;
	s7 =	simm.s32 @!p0 $0x108  }
0x21: {  	s3 =	sadd.s32 s3, s9;
	s6 =	sadd.s32 @!p0 $0x88, s6;
	s7 =	simm.s32 @p2 $0x1082  }
0x22: {  	[simem:s7], [sflag:s8] =	dma.local @!p0 [hbm:s6], $0xF7A  }
0x23: {  	s9 =	sor.u32 $0xD0000000, s2;
	s6 =	simm.s32 $0x108;
	_ =	swait.ge @!p0 [sflag:s8], $0x0  }
0x24: {  	s3 =	sadd.s32 $0x88, s3;
	s6 =	simm.s32 @!p1 $0x1082;
	[sflag:s4] =	ssyncset.s32 $0xFFFFF086  }
0x25: {  	[simem:s6], [sflag:s4] =	dma.local [hbm:s3], $0xF7A  }
0x26: {  	[smem:$0x3F9D] =	sst s1;
	(tag) =	ssettag s2;
	_ =	strace s9  }
0x27: {  	s1 =	sld [smem:$0x3FAD]  }
0x28: {  	s2 =	sld [smem:$0x3FAE]  }
0x29: {  	s4 =	sld [smem:$0x3FB0]  }
0x2a: {  	p0 =	seq.s32 s5, $0x0;
	s5 =	sld [smem:$0x3FB1]  }
0x2b: {  	s6 =	sld [smem:$0x3FB2]  }
0x2c: {  	s7 =	sld [smem:$0x3FB3]  }
0x2d: {  	s3 =	simm.s32 $0x108;
	s8 =	sld [smem:$0x3FB4]  }
0x2e: {  	s3 =	simm.s32 @!p0 $0x1082;
	s9 =	sld [smem:$0x3FB5]  }
0x2f: {  	lr =	sadd.s32 s0, s3;
	s0 =	sld [smem:$0x3FAC]  }
0x30: {  	s3 =	sld [smem:$0x3FAF]  }
0x31: {  	[smem:$0x3FB8] =	sst s10  }
0x32: {  	s10 =	sld [smem:$0x3FB6];
	_ =	sdelay $0x3  }
0x33: {  	p0 =	seq.s32 s10, $0x1;
	s10 =	sld [smem:$0x3FB8];
	_ =	sdelay $0x3  }
0x34: {  	[smem:$0x3FB8] =	sst s10  }
0x35: {  	s10 =	sld [smem:$0x3FB7];
	_ =	sdelay $0x3  }
0x36: {  	p1 =	seq.s32 s10, $0x1;
	s10 =	sld [smem:$0x3FB8];
	_ =	sdelay $0x3  }
0x37: {  	[smem:$0x3FB8] =	sst s10  }
0x38: {  	s10 =	sld [smem:$0x3FB9]  }
0x39: {  	_ = 	snop;
	(pc) =	sbr.ind lr, $3  }
0x3a: {  	_ = 	snop  }
0x3b: {  	_ = 	snop  }
0x3c: {  	p2 =	seq.s32 s10, $0x1;
	s10 =	sld [smem:$0x3FB8]  }
0x3d: {  	_ =	shalt  }
0x3e: {  	_ =	shalt  }
0x3f: {  	_ =	shalt  }
0x40: {  	_ =	shalt  }
0x41: {  	_ =	shalt  }
0x42: {  	_ =	shalt  }
0x43: {  	_ =	shalt  }
0x44: {  	_ =	shalt  }
0x45: {  	_ =	shalt  }
0x46: {  	_ =	shalt  }
0x47: {  	_ =	shalt  }
0x48: {  	_ =	shalt  }
0x49: {  	_ =	shalt  }
0x4a: {  	_ =	shalt  }
0x4b: {  	_ =	shalt  }
0x4c: {  	_ =	shalt  }
0x4d: {  	_ =	shalt  }
0x4e: {  	_ =	shalt  }
0x4f: {  	_ =	shalt  }
0x50: {  	_ =	shalt  }
0x51: {  	_ =	shalt  }
0x52: {  	_ =	shalt  }
0x53: {  	_ =	shalt  }
0x54: {  	_ =	shalt  }
0x55: {  	_ =	shalt  }
0x56: {  	_ =	shalt  }
0x57: {  	_ =	shalt  }
0x58: {  	_ =	shalt  }
0x59: {  	_ =	shalt  }
0x5a: {  	_ =	shalt  }
0x5b: {  	_ =	shalt  }
0x5c: {  	_ =	shalt  }
0x5d: {  	_ =	shalt  }
0x5e: {  	_ =	shalt  }
0x5f: {  	_ =	shalt  }
0x60: {  	_ =	shalt  }
0x61: {  	_ =	shalt  }
0x62: {  	_ =	shalt  }
0x63: {  	_ =	shalt  }
0x64: {  	_ =	shalt  }
0x65: {  	_ =	shalt  }
0x66: {  	_ =	shalt  }
0x67: {  	_ =	shalt  }
0x68: {  	_ =	shalt  }
0x69: {  	_ =	shalt  }
0x6a: {  	_ =	shalt  }
0x6b: {  	_ =	shalt  }
0x6c: {  	_ =	shalt  }
0x6d: {  	_ =	shalt  }
0x6e: {  	_ =	shalt  }
0x6f: {  	_ =	shalt  }
0x70: {  	_ =	shalt  }
0x71: {  	_ =	shalt  }
0x72: {  	_ =	shalt  }
0x73: {  	_ =	shalt  }
0x74: {  	_ =	shalt  }
0x75: {  	_ =	shalt  }
0x76: {  	_ =	shalt  }
0x77: {  	_ =	shalt  }
0x78: {  	_ =	shalt  }
0x79: {  	_ =	shalt  }
0x7a: {  	_ =	shalt  }
0x7b: {  	_ =	shalt  }
0x7c: {  	_ =	shalt  }
0x7d: {  	_ =	shalt  }
0x7e: {  	_ =	shalt  }
0x7f: {  	_ =	shalt  }
0x80: {  	_ =	shalt  }
0x81: {  	_ =	shalt  }
0x82: {  	_ =	shalt  }
0x83: {  	_ =	shalt  }
0x84: {  	_ =	shalt  }
0x85: {  	_ =	shalt  }
0x86: {  	_ =	shalt  }
0x87: {  	_ =	shalt  }
.Lfunc_end0:
.L_simem_size_0:
called_computation_lowered:
.L_overlay_start_0:
0x88: {  	s2 =	sld [smem:$0x3FD9]  }
0x89: {  	s3 =	sld [smem:$0x3FFE];
	_ =	sdelay $0x1  }
0x8a: {  	s1 =	srdreg.scid  }
0x8b: {  	s0 =	sand.u32 $0x1, s1  }
0x8c: {  	s17 =	sshll.u32 s0, $0xA;
	s2 =	sadd.s32 s3, s2  }
0x8d: {  	s2 =	sadd.s32 s2, s17  }
0x8e: {  	[smem:$0x3FC4] =	sst s2  }
0x8f: {  	_ = 	snop  }
0x90: {  	s2 =	sld [smem:$0x3FD0];
	(tm) =	ssettm $0x1  }
0x91: {  	s18 =	sld [smem:$0x3FFB];
	_ =	sdelay $0x3  }
0x92: {  	_ =	strace s18  }
0x93: {  	s3 =	sld [smem:$0x3FFC];
	_ =	sdelay $0x3  }
0x94: {  	_ =	strace s3  }
0x95: {  	s3 =	sld [smem:$0x3FFD];
	_ =	sdelay $0x3  }
0x96: {  	_ =	strace s3  }
0x97: {  	_ =	strace $0x8FFFFFFF  }
0x98: {  	s19 =	sld [smem:$0x3FDB];
	_ =	sdelay $0x1  }
0x99: {  	s4 =	simm.s32 $_scs_section_size  }
0x9a: {  	s5 =	simm.s32 $_size__tile_overlayer_lowered;
	s6 =	simm.s32 $_tile_overlayer_lowered  }
0x9b: {  	s22 =	simm.s32 $0x1BFF;
	s21 =	sshll.u32 s6, $0x1;
	s3 =	sadd.s32 s4, s19  }
0x9c: {  	s7 =	simm.s32 $0x0;
	s20 =	sshll.u32 s5, $0x1;
	s5 =	sadd.s32 s21, s3  }
0x9d: {  	[timem:s7], [sflag:s22] =	dma.local [hbm:s5], s20  }
0x9e: {  	_ =	swait.ge [sflag:s22], s20  }
0x9f: {  	s4 =	ssub.s32 $0x0, s20;
	[sflag:s22] =	ssyncset.done $0x0  }
0xa0: {  	[sflag:s22] =	ssyncadd.s32 s4;
	_ =	sdelay $0x1  }
0xa1: {  	s23 =	simm.s32 $0x1B8B  }
0xa2: {  	_ =	swait.ge [sflag:s23], $0x1  }
0xa3: {  	[sflag:s23] =	ssyncset.done $0x0  }
0xa4: {  	s25 =	simm.s32 $0x1B8E;
	s24 =	sld [smem:$0x3FFE];
	[sflag:s23] =	ssyncadd.s32 $0xFFFFFFFF  }
0xa5: {  	s26 =	simm.s32 $execute0_lowered;
	[smem:$0x3FD2] =	sst s25  }
0xa6: {  	s5 =	sshll.u32 s26, $0x1;
	_ =	strace $0x80000046;
	[dreg:$0x1] =	wrdreg $0xFFFFFFFF  }
0xa7: {  	s28 =	simm.s32 $_size_execute0_lowered;
	s3 =	sadd.s32 s3, s5;
	[dreg:$0x0] =	wrdreg $0x0  }
0xa8: {  	s5 =	sshll.u32 s28, $0x1;
	[dreg:$0x2] =	wrdreg s3  }
0xa9: {  	[dreg:$0x3] =	wrdreg s5  }
0xaa: {  	[dreg:$0x4] =	wrdreg $0xC0  }
0xab: {  	_ =	task [dreg:s7], $0x5FFFF  }
0xac: {  	[dreg:$0x1] =	wrdreg $0xFFFFFFFF  }
0xad: {  	[dreg:$0x0] =	wrdreg $0x60  }
0xae: {  	[dreg:$0x2] =	wrdreg s2  }
0xaf: {  	[dreg:$0x3] =	wrdreg s24  }
0xb0: {  	[dreg:$0x4] =	wrdreg $0x9  }
0xb1: {  	_ =	task.clear_ibuf [dreg:s7], $0x5FFFF;
	_ =	strace $0x90000046  }
0xb2: {  	s29 =	simm.s32 $0x9;
	_ =	strace $0x80000048  }
0xb3: {  	_ =	swait.ge [sflag:s29], $0x1  }
0xb4: {  	[sflag:s29] =	ssyncadd.s32 $0xFFFFFFFF  }
0xb5: {  	_ =	strace $0x90000048  }
0xb6: {  	_ =	sfence  }
0xb7: {  	s30 =	sld [smem:$0x0];
	_ =	sdelay $0x2  }
0xb8: {  	s31 =	sshll.u32 s1, $0xD;
	s1 =	sshrl.u32 s1, $0x2  }
0xb9: {  	s3 =	sand.u32 $0x4000, s31;
	s1 =	sadd.s32 s1, s30  }
0xba: {  	s0 =	sor.u32 s3, s0;
	s1 =	sshll.u32 s1, $0x11  }
0xbb: {  	s0 =	sor.u32 s1, s0  }
0xbc: {  	s0 =	sadd.s32 $0x8F2B, s0  }
0xbd: {  	[sflag:s0] =	ssyncadd.remote.s32 $0x1  }
0xbe: {  	_ =	sfence.sel $0xFFFF  }
0xbf: {  	[dreg:$0x0] =	wrdreg $0xFFFFFFFF;
	(pc) =	sbr.abs _section_cstart, $3  }
0xc0: {  	[dreg:$0x1] =	wrdreg $0xFFFFFFFF  }
0xc1: {  	_ =	task.clear_ibuf [dreg:s7], $0x2FFFF;
	_ =	strace $0x9FFFFFFF  }
0xc2: {  	(tm) =	ssettm $0x7FFFFFFF  }
0xc3: {  	_ =	shalt  }
tec
execute0_lowered:
.L_overlay_start_1:
0x0: {  	(tag) =	ssettag $0x1  }
0x1: {  	s1 =	srdreg.scid  }
0x2: {  	s2 =	rddreg [dreg:$0x0];
	s0 =	stileid.u32  }
0x3: {  	s4 =	rddreg [dreg:$0x1];
	s3 =	simm.s32 $0x0;
	s13 =	simm.s32 $0x2000  }
0x4: {  	s14 =	simm.s32 $0x4000;
	s15 =	simm.s32 $0x100;
	s16 =	simm.s32 $0x6000  }
0x5: {  	s17 =	simm.s32 $0x180;
	s18 =	simm.s32 $0x8000;
	s19 =	simm.s32 $0x1  }
0x6: {  	s20 =	simm.s32 $0x40;
	s21 =	simm.s32 $0x2;
	s22 =	simm.s32 $0x0  }
0x7: {  	s8 =	sand.u32 $0x1, s1;
	s5 =	sshll.u32 s0, $0xE;
	s1 =	rddreg [dreg:$0x2]  }
0x8: {  	[smem:$0x7FF] =	sst s3;
	s9 =	sadd.s32 $0x8E00, s4;
	s11 =	sshll.u32 s0, $0x12  }
0x9: {  	s6 =	sshll.u32 s8, $0xD;
	_ =	strace $0x80000047;
	s7 =	ssub.s32 $0x2, s8  }
0xa: {  	s11 =	sadd.s32 s11, s9;
	s12 =	sshll.u32 s8, $0x11;
	s5 =	sor.u32 s6, s5  }
0xb: {  	s31 =	sshrl.u32 s7, $0x1;
	s6 =	sshrl.u32 s5, $0x3;
	s5 =	sshll.u32 s5, $0x4  }
0xc: {  	s7 =	ssub.s32 s7, s31;
	s6 =	sadd.s32 s6, s4;
	s10 =	sadd.s32 s9, s5  }
0xd: {  	s5 =	smax.u32 s7, $0x1;
	s4 =	sadd.s32 $0xE00, s6;
	s6 =	sadd.s32 $0x1E000, s10  }
0xe: {  	s7 =	sadd.s32 $0x1E800, s10;
	s8 =	sadd.s32 $0x1F000, s10;
	s9 =	sadd.s32 $0x1F800, s10  }
0xf: {  	s10 =	sadd.s32 s12, s11;
	s11 =	simm.s32 $0x3;
	s12 =	simm.s32 $0x80  }
.LBB2_1:
0x10: {  	[tilespmem:s3], [sflag:$0x3] =	stream.linear.gather [hbm4b:s4+s3], $0x2000, $0x38;
	[tilespmem:$0xA000] =	vst v63  }
0x11: {  	_ =	swait.ge [sflag:s11], $0x2000  }
0x12: {  	[sflag:s11] =	ssyncset.done $0x0  }
0x13: {  	[sflag:s11] =	ssyncadd.s32 $0xFFFFE000  }
0x14: {  	[tilespmem:s13], [sflag:$0x1] =	stream.indirect.gather [hbm4b:s2+s12], $0x40, s3, s12, $0xb8;
	[tilespmem:$0xA000] =	vst v63  }
0x15: {  	_ = 	snop  }
0x16: {  	[tilespmem:s14], [sflag:$0x1] =	stream.indirect.gather [hbm4b:s2+s12], $0x40, s12, s12, $0xb8;
	[tilespmem:$0xA000] =	vst v63  }
0x17: {  	_ = 	snop  }
0x18: {  	[tilespmem:s16], [sflag:$0x1] =	stream.indirect.gather [hbm4b:s2+s12], $0x40, s15, s12, $0xb8;
	[tilespmem:$0xA000] =	vst v63  }
0x19: {  	_ = 	snop  }
0x1a: {  	[tilespmem:s18], [sflag:$0x1] =	stream.indirect.gather [hbm4b:s2+s12], $0x40, s17, s12, $0xb8;
	[tilespmem:$0xA000] =	vst v63  }
0x1b: {  	_ =	swait.ge [sflag:s19], $0x2000  }
0x1c: {  	[sflag:s19] =	ssyncset.done $0x0  }
0x1d: {  	s23 =	sadd.s32 $0x0, s10;
	[sflag:s19] =	ssyncadd.s32 $0xFFFFE000  }
0x1e: {  	[hbm4b:s23+s20] =	stream.strided.scatter [tilespmem:s13], [sflag:$0x2], $0x2000, s12, s20, $0x38;
	[tilespmem:$0xA000] =	vst v63  }
0x1f: {  	_ =	swait.ge [sflag:s19], $0x2000  }
0x20: {  	[sflag:s19] =	ssyncset.done $0x0  }
0x21: {  	s24 =	sadd.s32 $0x800, s23;
	[sflag:s19] =	ssyncadd.s32 $0xFFFFE000  }
0x22: {  	[hbm4b:s24+s20] =	stream.strided.scatter [tilespmem:s14], [sflag:$0x2], $0x2000, s12, s20, $0x38;
	[tilespmem:$0xA000] =	vst v63  }
0x23: {  	_ =	swait.ge [sflag:s19], $0x2000  }
0x24: {  	[sflag:s19] =	ssyncset.done $0x0  }
0x25: {  	s28 =	sadd.s32 $0x1000, s23;
	[sflag:s19] =	ssyncadd.s32 $0xFFFFE000  }
0x26: {  	[hbm4b:s28+s20] =	stream.strided.scatter [tilespmem:s16], [sflag:$0x2], $0x2000, s12, s20, $0x38;
	[tilespmem:$0xA000] =	vst v63  }
0x27: {  	_ =	swait.ge [sflag:s19], $0x2000  }
0x28: {  	[sflag:s19] =	ssyncset.done $0x0  }
0x29: {  	s23 =	sadd.s32 $0x1800, s23;
	[sflag:s19] =	ssyncadd.s32 $0xFFFFE000  }
0x2a: {  	[hbm4b:s23+s20] =	stream.strided.scatter [tilespmem:s18], [sflag:$0x2], $0x2000, s12, s20, $0x38;
	[tilespmem:$0xA000] =	vst v63  }
0x2b: {  	_ =	swait.ge [sflag:s21], $0x2000  }
0x2c: {  	[sflag:s21] =	ssyncset.done $0x0  }
0x2d: {  	s29 =	simm.s32 $0x200;
	[sflag:s21] =	ssyncadd.s32 $0xFFFFE000  }
0x2e: {  	[tilespmem:s13], [sflag:$0x1] =	stream.indirect.gather [hbm4b:s2+s12], $0x40, s29, s12, $0xb8;
	[tilespmem:$0xA000] =	vst v63  }
0x2f: {  	_ =	swait.ge [sflag:s21], $0x2000  }
0x30: {  	[sflag:s21] =	ssyncset.done $0x0  }
0x31: {  	s30 =	simm.s32 $0x280;
	[sflag:s21] =	ssyncadd.s32 $0xFFFFE000  }
0x32: {  	[tilespmem:s14], [sflag:$0x1] =	stream.indirect.gather [hbm4b:s2+s12], $0x40, s30, s12, $0xb8;
	[tilespmem:$0xA000] =	vst v63  }
0x33: {  	_ =	swait.ge [sflag:s21], $0x2000  }
0x34: {  	[sflag:s21] =	ssyncset.done $0x0  }
0x35: {  	s31 =	simm.s32 $0x300;
	[sflag:s21] =	ssyncadd.s32 $0xFFFFE000  }
0x36: {  	[tilespmem:s16], [sflag:$0x1] =	stream.indirect.gather [hbm4b:s2+s12], $0x40, s31, s12, $0xb8;
	[tilespmem:$0xA000] =	vst v63  }
0x37: {  	_ =	swait.ge [sflag:s21], $0x2000  }
0x38: {  	s25 =	simm.s32 $0x580;
	[sflag:s21] =	ssyncset.done $0x0  }
0x39: {  	s24 =	simm.s32 $0x2000;
	s23 =	simm.s32 $0x380;
	[sflag:s21] =	ssyncadd.s32 $0xFFFFE000  }
.LBB2_2:
0x3a: {  	[tilespmem:s18], [sflag:$0x1] =	stream.indirect.gather [hbm4b:s2+s12], $0x40, s23, s12, $0xb8;
	[tilespmem:$0xA000] =	vst v63  }
0x3b: {  	s26 =	smov.u32 s24;
	s23 =	smov.u32 s25  }
0x3c: {  	p0 =	sne.s32 s24, $0x1C000;
	s24 =	sadd.s32 $0x2000, s24;
	_ =	swait.ge [sflag:s19], $0x2000  }
0x3d: {  	[sflag:s19] =	ssyncset.done $0x0  }
0x3e: {  	s26 =	sadd.s32 s26, s10;
	[sflag:s19] =	ssyncadd.s32 $0xFFFFE000  }
0x3f: {  	[hbm4b:s26+s20] =	stream.strided.scatter [tilespmem:s13], [sflag:$0x2], $0x2000, s12, s20, $0x38;
	[tilespmem:$0xA000] =	vst v63  }
0x40: {  	_ =	swait.ge [sflag:s19], $0x2000  }
0x41: {  	[sflag:s19] =	ssyncset.done $0x0  }
0x42: {  	s28 =	sadd.s32 $0x800, s26;
	[sflag:s19] =	ssyncadd.s32 $0xFFFFE000  }
0x43: {  	[hbm4b:s28+s20] =	stream.strided.scatter [tilespmem:s14], [sflag:$0x2], $0x2000, s12, s20, $0x38;
	[tilespmem:$0xA000] =	vst v63  }
0x44: {  	_ =	swait.ge [sflag:s19], $0x2000  }
0x45: {  	[sflag:s19] =	ssyncset.done $0x0  }
0x46: {  	s28 =	sadd.s32 $0x1000, s26;
	[sflag:s19] =	ssyncadd.s32 $0xFFFFE000  }
0x47: {  	[hbm4b:s28+s20] =	stream.strided.scatter [tilespmem:s16], [sflag:$0x2], $0x2000, s12, s20, $0x38;
	[tilespmem:$0xA000] =	vst v63  }
0x48: {  	_ =	swait.ge [sflag:s19], $0x2000  }
0x49: {  	[sflag:s19] =	ssyncset.done $0x0  }
0x4a: {  	s26 =	sadd.s32 $0x1800, s26;
	[sflag:s19] =	ssyncadd.s32 $0xFFFFE000  }
0x4b: {  	[hbm4b:s26+s20] =	stream.strided.scatter [tilespmem:s18], [sflag:$0x2], $0x2000, s12, s20, $0x38;
	[tilespmem:$0xA000] =	vst v63  }
0x4c: {  	_ =	swait.ge [sflag:s21], $0x2000  }
0x4d: {  	[sflag:s21] =	ssyncset.done $0x0  }
0x4e: {  	s26 =	sadd.s32 $0xFFFFFE80, s25;
	[sflag:s21] =	ssyncadd.s32 $0xFFFFE000  }
0x4f: {  	[tilespmem:s13], [sflag:$0x1] =	stream.indirect.gather [hbm4b:s2+s12], $0x40, s26, s12, $0xb8;
	[tilespmem:$0xA000] =	vst v63  }
0x50: {  	_ =	swait.ge [sflag:s21], $0x2000  }
0x51: {  	[sflag:s21] =	ssyncset.done $0x0  }
0x52: {  	s26 =	sadd.s32 $0xFFFFFF00, s25;
	[sflag:s21] =	ssyncadd.s32 $0xFFFFE000  }
0x53: {  	[tilespmem:s14], [sflag:$0x1] =	stream.indirect.gather [hbm4b:s2+s12], $0x40, s26, s12, $0xb8;
	[tilespmem:$0xA000] =	vst v63  }
0x54: {  	_ =	swait.ge [sflag:s21], $0x2000  }
0x55: {  	[sflag:s21] =	ssyncset.done $0x0  }
.Ltmp0:
0x56: {  	s26 =	sadd.s32 $0xFFFFFF80, s25;
	[sflag:s21] =	ssyncadd.s32 $0xFFFFE000;
	(pc) =	sbr.rel @p0 .LBB2_2-.Ltmp0, $4  }
0x57: {  	[tilespmem:s16], [sflag:$0x1] =	stream.indirect.gather [hbm4b:s2+s12], $0x40, s26, s12, $0xb8;
	[tilespmem:$0xA000] =	vst v63  }
0x58: {  	_ =	swait.ge [sflag:s21], $0x2000  }
0x59: {  	[sflag:s21] =	ssyncset.done $0x0  }
0x5a: {  	s25 =	sadd.s32 $0x200, s25;
	[sflag:s21] =	ssyncadd.s32 $0xFFFFE000  }
0x5b: {  	[tilespmem:s18], [sflag:$0x1] =	stream.indirect.gather [hbm4b:s2+s12], $0x40, s23, s12, $0xb8;
	[tilespmem:$0xA000] =	vst v63  }
0x5c: {  	_ =	swait.ge [sflag:s19], $0x2000  }
0x5d: {  	[sflag:s19] =	ssyncset.done $0x0  }
0x5e: {  	[sflag:s19] =	ssyncadd.s32 $0xFFFFE000  }
0x5f: {  	[hbm4b:s6+s20] =	stream.strided.scatter [tilespmem:s13], [sflag:$0x2], $0x2000, s12, s20, $0x38;
	[tilespmem:$0xA000] =	vst v63  }
0x60: {  	_ =	swait.ge [sflag:s19], $0x2000  }
0x61: {  	[sflag:s19] =	ssyncset.done $0x0  }
0x62: {  	[sflag:s19] =	ssyncadd.s32 $0xFFFFE000  }
0x63: {  	[hbm4b:s7+s20] =	stream.strided.scatter [tilespmem:s14], [sflag:$0x2], $0x2000, s12, s20, $0x38;
	[tilespmem:$0xA000] =	vst v63  }
0x64: {  	_ =	swait.ge [sflag:s19], $0x2000  }
0x65: {  	[sflag:s19] =	ssyncset.done $0x0  }
0x66: {  	[sflag:s19] =	ssyncadd.s32 $0xFFFFE000  }
0x67: {  	[hbm4b:s8+s20] =	stream.strided.scatter [tilespmem:s16], [sflag:$0x2], $0x2000, s12, s20, $0x38;
	[tilespmem:$0xA000] =	vst v63  }
0x68: {  	_ =	swait.ge [sflag:s19], $0x2000  }
0x69: {  	[sflag:s19] =	ssyncset.done $0x0  }
0x6a: {  	[sflag:s19] =	ssyncadd.s32 $0xFFFFE000  }
0x6b: {  	[hbm4b:s9+s20] =	stream.strided.scatter [tilespmem:s18], [sflag:$0x2], $0x2000, s12, s20, $0x38;
	[tilespmem:$0xA000] =	vst v63  }
0x6c: {  	_ =	swait.ge [sflag:s21], $0x2000  }
0x6d: {  	[sflag:s21] =	ssyncset.done $0x0  }
0x6e: {  	[sflag:s21] =	ssyncadd.s32 $0xFFFFE000  }
0x6f: {  	_ =	swait.ge [sflag:s21], $0x2000  }
0x70: {  	[sflag:s21] =	ssyncset.done $0x0  }
0x71: {  	s22 =	sadd.s32 $0x1, s22;
	[sflag:s21] =	ssyncadd.s32 $0xFFFFE000  }
0x72: {  	p0 =	sne.s32 s22, s5;
	_ =	swait.ge [sflag:s21], $0x2000  }
.Ltmp1:
0x73: {  	[sflag:s21] =	ssyncset.done $0x0;
	(pc) =	sbr.rel @p0 .LBB2_1-.Ltmp1, $4  }
0x74: {  	[sflag:s21] =	ssyncadd.s32 $0xFFFFE000  }
0x75: {  	_ =	swait.ge [sflag:s21], $0x2000  }
0x76: {  	[sflag:s21] =	ssyncset.done $0x0  }
0x77: {  	[sflag:s21] =	ssyncadd.s32 $0xFFFFE000  }
0x78: {  	_ =	sfence.sel $0x180000  }
0x79: {  	[bflag:$0x0] =	sbarrier.arrive $0xFFFF  }
0x7a: {  	p0 =	sne.s32 s0, $0x0;
	_ =	strace $0x90000047  }
0x7b: {  	s0 =	sadd.s32 @!p0 $0x100000, s1;
	[bflag:$0x2] =	sbarrier.arrive $0xFFFF  }
0x7c: {  	[sflag:s0] =	ssyncadd.tile.s32 @!p0 $0x1;
	_ =	shalt  }
.Lfunc_end2:
_tile_overlayer_lowered:
.L_overlay_start_2:
0x7d: {  	(tag) =	ssettag $0x2  }
0x7e: {  	s0 =	rddreg [dreg:$0x0];
	s2 =	stileid.u32  }
0x7f: {  	s1 =	rddreg [dreg:$0x1];
	p0 =	sne.s32 s2, $0x0  }
0x80: {  	s3 =	rddreg [dreg:$0x2];
	[bflag:$0x3] =	sbarrier.arrive $0xFFFF;
	s2 =	simm.s32 @!p0 $0x1C03  }
0x81: {  	[timem:s3], [sflag:s2] =	dma.local @!p0 [hbm:s0], s1  }
0x82: {  	s0 =	simm.s32 @!p0 $0x3  }
0x83: {  	_ =	swait.ge @!p0 [sflag:s0], s1  }
0x84: {  	s1 =	ssub.s32 @!p0 $0x0, s1;
	[sflag:s0] =	ssyncset.done @!p0 $0x0  }
0x85: {  	[sflag:s0] =	ssyncadd.s32 @!p0 s1  }
0x86: {  	[bflag:$0x3] =	sbarrier.arrive $0xFFFF  }
0x87: {  	_ =	shalt  }

</sc_bundles>
